<compile_context>
chip_gen: v7x
topology: tpu7x:2x2x1
jax: 0.10.2.dev20260603
libtpu: 0.0.44.dev20260713+nightly
codegen_flags: <defaults>
</compile_context>

<pallas_src>
import functools

import jax
import jax.numpy as jnp
from jax import lax
from jax.experimental import pallas as pl
from jax.experimental.pallas import tpu as pltpu
from jax.experimental.pallas import tpu_sc as plsc

_N = 10000
_E = 320000
_M = 16
_MID = 32
_TE = 6400
_NH = 2
_EH = _E // _NH
_GCHUNK = 5000


def _gather_sc(table, idx, n_edges):
    info = plsc.get_sparse_core_info()
    nw = info.num_cores * info.num_subcores
    b_per_w = n_edges // nw
    n_chunks = b_per_w // _GCHUNK
    mesh = plsc.VectorSubcoreMesh(core_axis_name="c", subcore_axis_name="s")

    @functools.partial(
        pl.kernel,
        mesh=mesh,
        out_type=jax.ShapeDtypeStruct((n_edges, _M), jnp.float32),
        scratch_types=[
            pltpu.VMEM((_GCHUNK,), jnp.int32),
            pltpu.VMEM((_GCHUNK, _M), jnp.float32),
            pltpu.SemaphoreType.DMA,
        ],
        compiler_params=pltpu.CompilerParams(use_tc_tiling_on_sc=False),
    )
    def gather_kernel(table_hbm, idx_hbm, out_hbm, idx_v, rows_v, sem):
        wid = lax.axis_index("s") * info.num_cores + lax.axis_index("c")
        base = wid * b_per_w
        for c in range(n_chunks):
            off = base + c * _GCHUNK
            pltpu.sync_copy(idx_hbm.at[pl.ds(off, _GCHUNK)], idx_v)
            pltpu.async_copy(table_hbm.at[idx_v], rows_v, sem).wait()
            pltpu.sync_copy(rows_v, out_hbm.at[pl.ds(off, _GCHUNK)])

    return gather_kernel(table, idx)


def _tc_body(ea_ref, r_ref, bs_ref, g_ref, w1a_ref, w1rb_ref, jm_ref,
             gb1_ref, w2b_ref, gb2_ref, w3_ref, b3_ref, tm_ref, sm_ref,
             out_ref):
    f32 = jnp.float32
    bf = jnp.bfloat16
    jm = jm_ref[...]
    ones_row = jnp.ones((1, _TE), dtype=f32)

    def dotf(a, b):
        return jnp.dot(a, b, preferred_element_type=f32)

    def ln_relu(y, gb):
        mu = dotf(jm, y)
        s2 = dotf(jm, y * y)
        ga = dotf(gb[0:1, :].T, ones_row)
        be = dotf(gb[1:2, :].T, ones_row)
        return jnp.maximum((y - mu) * lax.rsqrt(s2 - mu * mu + 1e-5)
                           * ga + be, 0.0)

    aug = jnp.concatenate([r_ref[...], ones_row], axis=0)
    y = dotf(w1a_ref[...], ea_ref[...]) + dotf(w1rb_ref[...], aug)
    y = ln_relu(y, gb1_ref[...])
    y = dotf(w2b_ref[...][:, :_MID], y) \
        + dotf(w2b_ref[...][:, _MID:], ones_row)
    y = ln_relu(y, gb2_ref[...])
    y3 = dotf(w3_ref[...], y.astype(bf)) + dotf(b3_ref[...], ones_row)
    grep = dotf(tm_ref[...], g_ref[...].astype(bf))
    out = dotf(sm_ref[...], (y3 * grep).astype(bf))
    out_ref[...] = out * dotf(jnp.ones((_M, 1), dtype=f32), bs_ref[...])


def kernel(h0, r, edge_attr, basis_00, W1, b1, g1, be1, W2, b2, g2, be2,
           W3, b3, edge_index):
    f32 = jnp.float32
    table = h0.reshape(_N, _M)
    src_idx = edge_index[0]

    eaT = edge_attr.T
    rT = r.T
    bsT = basis_00.reshape(1, _E)

    eye16 = jnp.eye(_M, dtype=f32)
    consts = [
        W1[:, :16],
        jnp.stack([W1[:, 16], b1], axis=1),
        jnp.full((_MID, _MID), 1.0 / _MID, dtype=f32),
        jnp.stack([g1, be1], axis=0),
        jnp.concatenate([W2, b2[:, None]], axis=1),
        jnp.stack([g2, be2], axis=0),
        W3.astype(jnp.bfloat16),
        b3.reshape(256, 1),
        jnp.tile(eye16, (_M, 1)).astype(jnp.bfloat16),
        jnp.kron(eye16, jnp.ones((1, _M))).astype(jnp.bfloat16),
    ]

    full_spec = lambda a: pl.BlockSpec(a.shape, lambda i: (0,) * a.ndim)
    nblk = _EH // _TE

    halves = []
    for h in range(_NH):
        idx_h = lax.slice_in_dim(src_idx, h * _EH, (h + 1) * _EH)
        gT_h = _gather_sc(table, idx_h, _EH).T
        off_spec = lambda w, hh=h: pl.BlockSpec(
            (w, _TE), lambda i, _hh=hh: (0, i + _hh * nblk))
        loc_spec = lambda w: pl.BlockSpec((w, _TE), lambda i: (0, i))
        outT_h = pl.pallas_call(
            _tc_body,
            grid=(nblk,),
            in_specs=[off_spec(_M), off_spec(1), off_spec(1), loc_spec(_M)]
                     + [full_spec(a) for a in consts],
            out_specs=loc_spec(_M),
            out_shape=jax.ShapeDtypeStruct((_M, _EH), f32),
            compiler_params=pltpu.CompilerParams(
                dimension_semantics=("arbitrary",)),
        )(eaT, rT, bsT, gT_h, *consts)
        halves.append(outT_h)

    outT = jnp.concatenate(halves, axis=1)
    return outT.T.reshape(_E, _M, 1)

# --- scband reference (transcript-rebuilt; emitter-appended) ---
"""Pipeline reference for scband-gconv-se3-partial-18743237279828 (READ-ONLY COPY).

The authoritative reference and input builder live on the scoring server;
editing this copy changes nothing except your own understanding.
"""

import jax, jax.numpy as jnp
import numpy as np

N = 10000
E = 320000
M_IN = 16
M_OUT = 16
EDGE_DIM = 16
NUM_FREQ = 1  # 2*min(0,0)+1
D_OUT = 1     # 2*0+1
MID = 32


def _layernorm(x, g, b, eps=1e-5):
    mu = jnp.mean(x, axis=-1, keepdims=True)
    var = jnp.mean((x - mu) ** 2, axis=-1, keepdims=True)
    return (x - mu) / jnp.sqrt(var + eps) * g + b


def setup_inputs(seed: int = 0) -> dict:
    key = jax.random.key(seed)
    ks = jax.random.split(key, 20)
    h0 = jax.random.normal(ks[0], (N, M_IN, 1), dtype=jnp.float32)
    r = jax.random.uniform(ks[1], (E, 1), dtype=jnp.float32)
    edge_attr = jax.random.normal(ks[2], (E, EDGE_DIM), dtype=jnp.float32)
    basis_00 = jax.random.uniform(ks[3], (E, 1, D_OUT, 1, 1, NUM_FREQ), dtype=jnp.float32)
    edge_index = jax.random.randint(ks[4], (2, E), 0, N, dtype=jnp.int32)
    # RadialFunc parameters: Linear(17,32) -> LN -> ReLU -> Linear(32,32) -> LN -> ReLU -> Linear(32, num_freq*in*out)
    in0 = EDGE_DIM + 1
    W1 = jax.random.normal(ks[5], (MID, in0), dtype=jnp.float32) * np.sqrt(2.0 / in0)
    b1 = jnp.zeros((MID,), dtype=jnp.float32)
    g1 = jnp.ones((MID,), dtype=jnp.float32)
    be1 = jnp.zeros((MID,), dtype=jnp.float32)
    W2 = jax.random.normal(ks[6], (MID, MID), dtype=jnp.float32) * np.sqrt(2.0 / MID)
    b2 = jnp.zeros((MID,), dtype=jnp.float32)
    g2 = jnp.ones((MID,), dtype=jnp.float32)
    be2 = jnp.zeros((MID,), dtype=jnp.float32)
    W3 = jax.random.normal(ks[7], (NUM_FREQ * M_IN * M_OUT, MID), dtype=jnp.float32) * np.sqrt(2.0 / MID)
    b3 = jnp.zeros((NUM_FREQ * M_IN * M_OUT,), dtype=jnp.float32)
    return {"h0": h0, "r": r, "edge_attr": edge_attr, "basis_00": basis_00,
            "W1": W1, "b1": b1, "g1": g1, "be1": be1,
            "W2": W2, "b2": b2, "g2": g2, "be2": be2,
            "W3": W3, "b3": b3, "edge_index": edge_index}


def reference(h0, r, edge_attr, basis_00, W1, b1, g1, be1, W2, b2, g2, be2, W3, b3, edge_index):
    # RadialFunc: feat = cat(edge_attr, r) -> MLP -> R[E, out, 1, in, 1, num_freq]
    feat = jnp.concatenate([edge_attr, r], axis=-1)
    y = feat @ W1.T + b1
    y = _layernorm(y, g1, be1)
    y = jax.nn.relu(y)
    y = y @ W2.T + b2
    y = _layernorm(y, g2, be2)
    y = jax.nn.relu(y)
    y = y @ W3.T + b3
    R = y.reshape(E, M_OUT, 1, M_IN, 1, NUM_FREQ)
    # PairwiseConv: kernel = sum(R * basis['0,0'], -1) -> [E, d_out*nc_out, nc_in*(2*d_in+1)]
    kernel = jnp.sum(R * basis_00, axis=-1)
    kernel = kernel.reshape(E, D_OUT * M_OUT, -1)
    # Partial conv udf: gather source node type-0 features and apply per-edge kernel
    src = jnp.take(h0, edge_index[0], axis=0).reshape(E, M_IN * 1, 1)
    msg = jnp.matmul(kernel, src)
    out0 = msg.reshape(E, -1, 2 * 0 + 1)  # [E, M_OUT, 1]
    return out0

if __name__ == "__main__":
    import jax
    _d = setup_inputs()
    print(jax.jit(kernel)(*tuple(_d.values())))

</pallas_src>

<mosaic_0001>
#map = affine_map<(d0, d1) -> (0, 0)>
#map1 = affine_map<(d0, d1) -> (0)>
module attributes {stable_mosaic.version = 14 : i64} {
  func.func @gather_kernel(%arg0: i32, %arg1: i32, %arg2: memref<10000x16xf32, #tpu.memory_space<hbm>>, %arg3: memref<160000xi32, #tpu.memory_space<hbm>>, %arg4: memref<160000x16xf32, #tpu.memory_space<hbm>>, %arg5: memref<5000xi32, #tpu.memory_space<vmem>>, %arg6: memref<5000x16xf32, #tpu.memory_space<vmem>>, %arg7: memref<!tpu.dma_semaphore, #tpu.memory_space<semaphore_mem>>) attributes {dimension_semantics = [#tpu.dimension_semantics<core_parallel>, #tpu.dimension_semantics<subcore_parallel>], iteration_bounds = array<i64: 2, 16>, scalar_prefetch = 0 : i64, scratch_operands = 3 : i64, tpu.core_type = #tpu.core_type<sc_vector_subcore>, window_params = [{transform_indices = #map}, {transform_indices = #map1}, {transform_indices = #map}]} {
    %mul3A = arith.constant 2 : i32
    %mul3A_0 = arith.muli %arg1, %mul3A : i32
    %add3A = arith.addi %mul3A_0, %arg0 : i32
    %mul3A_1 = arith.constant 5000 : i32
    %mul3A_2 = arith.muli %add3A, %mul3A_1 : i32
    %add3A_3 = arith.constant 0 : i32
    %add3A_4 = arith.addi %mul3A_2, %add3A_3 : i32
    "tpu.region"() ({
      %run_scoped3A = tpu.sem_alloc : memref<!tpu.dma_semaphore, #tpu.memory_space<semaphore_mem>>
      %dma_start3A_9 = tpu.memref_slice %arg3[%add3A_4] : memref<160000xi32, #tpu.memory_space<hbm>> -> memref<5000xi32, #tpu.memory_space<hbm>>
      %dma_start3A_10 = tpu.memref_slice %arg3[%add3A_4] : memref<160000xi32, #tpu.memory_space<hbm>> -> memref<5000xi32, #tpu.memory_space<hbm>>
      tpu.enqueue_dma source(%dma_start3A_10 : memref<5000xi32, #tpu.memory_space<hbm>>) target(%arg5 : memref<5000xi32, #tpu.memory_space<vmem>>) target_semaphore(%run_scoped3A : memref<!tpu.dma_semaphore, #tpu.memory_space<semaphore_mem>>)
      %dma_wait3A_11 = tpu.memref_slice %arg3[%add3A_4] : memref<160000xi32, #tpu.memory_space<hbm>> -> memref<5000xi32, #tpu.memory_space<hbm>>
      %dma_wait3A_12 = tpu.memref_slice %arg3[%add3A_4] : memref<160000xi32, #tpu.memory_space<hbm>> -> memref<5000xi32, #tpu.memory_space<hbm>>
      tpu.wait_dma2 semaphore(%run_scoped3A : memref<!tpu.dma_semaphore, #tpu.memory_space<semaphore_mem>>) src(%dma_wait3A_12 : memref<5000xi32, #tpu.memory_space<hbm>>) dst(%arg5 : memref<5000xi32, #tpu.memory_space<vmem>>)
      tpu.yield
    }) : () -> ()
    %dma_start3A = arith.constant 0 : i32
    %dma_start3A_5 = arith.constant 0 : i32
    %dma_start3A_6 = tpu.memref_slice %arg2[%dma_start3A, %dma_start3A_5] : memref<10000x16xf32, #tpu.memory_space<hbm>> -> memref<10000x16xf32, #tpu.memory_space<hbm>>
    tpu.enqueue_indirect_dma source(%dma_start3A_6 : memref<10000x16xf32, #tpu.memory_space<hbm>>) target(%arg6 : memref<5000x16xf32, #tpu.memory_space<vmem>>) offsets(%arg5 : memref<5000xi32, #tpu.memory_space<vmem>>) semaphore(%arg7 : memref<!tpu.dma_semaphore, #tpu.memory_space<semaphore_mem>>)
    %dma_wait3A = arith.constant 0 : i32
    %dma_wait3A_7 = arith.constant 0 : i32
    %dma_wait3A_8 = tpu.memref_slice %arg2[%dma_wait3A, %dma_wait3A_7] : memref<10000x16xf32, #tpu.memory_space<hbm>> -> memref<10000x16xf32, #tpu.memory_space<hbm>>
    tpu.wait_indirect_dma semaphore(%arg7 : memref<!tpu.dma_semaphore, #tpu.memory_space<semaphore_mem>>) src(%dma_wait3A_8 : memref<10000x16xf32, #tpu.memory_space<hbm>>) dst(%arg6 : memref<5000x16xf32, #tpu.memory_space<vmem>>)
    "tpu.region"() ({
      %run_scoped3A = tpu.sem_alloc : memref<!tpu.dma_semaphore, #tpu.memory_space<semaphore_mem>>
      %dma_start3A_9 = arith.constant 0 : i32
      %dma_start3A_10 = tpu.memref_slice %arg4[%add3A_4, %dma_start3A_9] : memref<160000x16xf32, #tpu.memory_space<hbm>> -> memref<5000x16xf32, #tpu.memory_space<hbm>>
      %dma_start3A_11 = arith.constant 0 : i32
      %dma_start3A_12 = tpu.memref_slice %arg4[%add3A_4, %dma_start3A_11] : memref<160000x16xf32, #tpu.memory_space<hbm>> -> memref<5000x16xf32, #tpu.memory_space<hbm>>
      tpu.enqueue_dma source(%arg6 : memref<5000x16xf32, #tpu.memory_space<vmem>>) target(%dma_start3A_12 : memref<5000x16xf32, #tpu.memory_space<hbm>>) target_semaphore(%run_scoped3A : memref<!tpu.dma_semaphore, #tpu.memory_space<semaphore_mem>>)
      %dma_wait3A_13 = arith.constant 0 : i32
      %dma_wait3A_14 = tpu.memref_slice %arg4[%add3A_4, %dma_wait3A_13] : memref<160000x16xf32, #tpu.memory_space<hbm>> -> memref<5000x16xf32, #tpu.memory_space<hbm>>
      %dma_wait3A_15 = arith.constant 0 : i32
      %dma_wait3A_16 = tpu.memref_slice %arg4[%add3A_4, %dma_wait3A_15] : memref<160000x16xf32, #tpu.memory_space<hbm>> -> memref<5000x16xf32, #tpu.memory_space<hbm>>
      tpu.wait_dma2 semaphore(%run_scoped3A : memref<!tpu.dma_semaphore, #tpu.memory_space<semaphore_mem>>) src(%arg6 : memref<5000x16xf32, #tpu.memory_space<vmem>>) dst(%dma_wait3A_16 : memref<5000x16xf32, #tpu.memory_space<hbm>>)
      tpu.yield
    }) : () -> ()
    return
  }
}

#map = affine_map<(d0, d1) -> (0, 0)>
#map1 = affine_map<(d0, d1) -> (0)>
module attributes {stable_mosaic.version = 14 : i64} {
  func.func @gather_kernel(%arg0: i32, %arg1: i32, %arg2: memref<10000x16xf32, #tpu.memory_space<hbm>>, %arg3: memref<160000xi32, #tpu.memory_space<hbm>>, %arg4: memref<160000x16xf32, #tpu.memory_space<hbm>>, %arg5: memref<5000xi32, #tpu.memory_space<vmem>>, %arg6: memref<5000x16xf32, #tpu.memory_space<vmem>>, %arg7: memref<!tpu.dma_semaphore, #tpu.memory_space<semaphore_mem>>) attributes {dimension_semantics = [#tpu.dimension_semantics<core_parallel>, #tpu.dimension_semantics<subcore_parallel>], iteration_bounds = array<i64: 2, 16>, scalar_prefetch = 0 : i64, scratch_operands = 3 : i64, tpu.core_type = #tpu.core_type<sc_vector_subcore>, window_params = [{transform_indices = #map}, {transform_indices = #map1}, {transform_indices = #map}]} {
    %mul3A = arith.constant 2 : i32
    %mul3A_0 = arith.muli %arg1, %mul3A : i32
    %add3A = arith.addi %mul3A_0, %arg0 : i32
    %mul3A_1 = arith.constant 5000 : i32
    %mul3A_2 = arith.muli %add3A, %mul3A_1 : i32
    %add3A_3 = arith.constant 0 : i32
    %add3A_4 = arith.addi %mul3A_2, %add3A_3 : i32
    "tpu.region"() ({
      %run_scoped3A = tpu.sem_alloc : memref<!tpu.dma_semaphore, #tpu.memory_space<semaphore_mem>>
      %dma_start3A_9 = tpu.memref_slice %arg3[%add3A_4] : memref<160000xi32, #tpu.memory_space<hbm>> -> memref<5000xi32, #tpu.memory_space<hbm>>
      %dma_start3A_10 = tpu.memref_slice %arg3[%add3A_4] : memref<160000xi32, #tpu.memory_space<hbm>> -> memref<5000xi32, #tpu.memory_space<hbm>>
      tpu.enqueue_dma source(%dma_start3A_10 : memref<5000xi32, #tpu.memory_space<hbm>>) target(%arg5 : memref<5000xi32, #tpu.memory_space<vmem>>) target_semaphore(%run_scoped3A : memref<!tpu.dma_semaphore, #tpu.memory_space<semaphore_mem>>)
      %dma_wait3A_11 = tpu.memref_slice %arg3[%add3A_4] : memref<160000xi32, #tpu.memory_space<hbm>> -> memref<5000xi32, #tpu.memory_space<hbm>>
      %dma_wait3A_12 = tpu.memref_slice %arg3[%add3A_4] : memref<160000xi32, #tpu.memory_space<hbm>> -> memref<5000xi32, #tpu.memory_space<hbm>>
      tpu.wait_dma2 semaphore(%run_scoped3A : memref<!tpu.dma_semaphore, #tpu.memory_space<semaphore_mem>>) src(%dma_wait3A_12 : memref<5000xi32, #tpu.memory_space<hbm>>) dst(%arg5 : memref<5000xi32, #tpu.memory_space<vmem>>)
      tpu.yield
    }) : () -> ()
    %dma_start3A = arith.constant 0 : i32
    %dma_start3A_5 = arith.constant 0 : i32
    %dma_start3A_6 = tpu.memref_slice %arg2[%dma_start3A, %dma_start3A_5] : memref<10000x16xf32, #tpu.memory_space<hbm>> -> memref<10000x16xf32, #tpu.memory_space<hbm>>
    tpu.enqueue_indirect_dma source(%dma_start3A_6 : memref<10000x16xf32, #tpu.memory_space<hbm>>) target(%arg6 : memref<5000x16xf32, #tpu.memory_space<vmem>>) offsets(%arg5 : memref<5000xi32, #tpu.memory_space<vmem>>) semaphore(%arg7 : memref<!tpu.dma_semaphore, #tpu.memory_space<semaphore_mem>>)
    %dma_wait3A = arith.constant 0 : i32
    %dma_wait3A_7 = arith.constant 0 : i32
    %dma_wait3A_8 = tpu.memref_slice %arg2[%dma_wait3A, %dma_wait3A_7] : memref<10000x16xf32, #tpu.memory_space<hbm>> -> memref<10000x16xf32, #tpu.memory_space<hbm>>
    tpu.wait_indirect_dma semaphore(%arg7 : memref<!tpu.dma_semaphore, #tpu.memory_space<semaphore_mem>>) src(%dma_wait3A_8 : memref<10000x16xf32, #tpu.memory_space<hbm>>) dst(%arg6 : memref<5000x16xf32, #tpu.memory_space<vmem>>)
    "tpu.region"() ({
      %run_scoped3A = tpu.sem_alloc : memref<!tpu.dma_semaphore, #tpu.memory_space<semaphore_mem>>
      %dma_start3A_9 = arith.constant 0 : i32
      %dma_start3A_10 = tpu.memref_slice %arg4[%add3A_4, %dma_start3A_9] : memref<160000x16xf32, #tpu.memory_space<hbm>> -> memref<5000x16xf32, #tpu.memory_space<hbm>>
      %dma_start3A_11 = arith.constant 0 : i32
      %dma_start3A_12 = tpu.memref_slice %arg4[%add3A_4, %dma_start3A_11] : memref<160000x16xf32, #tpu.memory_space<hbm>> -> memref<5000x16xf32, #tpu.memory_space<hbm>>
      tpu.enqueue_dma source(%arg6 : memref<5000x16xf32, #tpu.memory_space<vmem>>) target(%dma_start3A_12 : memref<5000x16xf32, #tpu.memory_space<hbm>>) target_semaphore(%run_scoped3A : memref<!tpu.dma_semaphore, #tpu.memory_space<semaphore_mem>>)
      %dma_wait3A_13 = arith.constant 0 : i32
      %dma_wait3A_14 = tpu.memref_slice %arg4[%add3A_4, %dma_wait3A_13] : memref<160000x16xf32, #tpu.memory_space<hbm>> -> memref<5000x16xf32, #tpu.memory_space<hbm>>
      %dma_wait3A_15 = arith.constant 0 : i32
      %dma_wait3A_16 = tpu.memref_slice %arg4[%add3A_4, %dma_wait3A_15] : memref<160000x16xf32, #tpu.memory_space<hbm>> -> memref<5000x16xf32, #tpu.memory_space<hbm>>
      tpu.wait_dma2 semaphore(%run_scoped3A : memref<!tpu.dma_semaphore, #tpu.memory_space<semaphore_mem>>) src(%arg6 : memref<5000x16xf32, #tpu.memory_space<vmem>>) dst(%dma_wait3A_16 : memref<5000x16xf32, #tpu.memory_space<hbm>>)
      tpu.yield
    }) : () -> ()
    return
  }
}

module attributes {stable_mosaic.version = 14 : i64} {
  func.func @_tc_body(%arg0: i32, %arg1: memref<16x6400xf32, #tpu.memory_space<vmem>>, %arg2: memref<1x6400xf32, #tpu.memory_space<vmem>>, %arg3: memref<1x6400xf32, #tpu.memory_space<vmem>>, %arg4: memref<16x6400xf32, #tpu.memory_space<vmem>>, %arg5: memref<32x16xf32, #tpu.memory_space<vmem>>, %arg6: memref<32x2xf32, #tpu.memory_space<vmem>>, %arg7: memref<32x32xf32, #tpu.memory_space<vmem>>, %arg8: memref<2x32xf32, #tpu.memory_space<vmem>>, %arg9: memref<32x33xf32, #tpu.memory_space<vmem>>, %arg10: memref<2x32xf32, #tpu.memory_space<vmem>>, %arg11: memref<256x32xbf16, #tpu.memory_space<vmem>>, %arg12: memref<256x1xf32, #tpu.memory_space<vmem>>, %arg13: memref<256x16xbf16, #tpu.memory_space<vmem>>, %arg14: memref<16x256xbf16, #tpu.memory_space<vmem>>, %arg15: memref<16x6400xf32, #tpu.memory_space<vmem>>) attributes {dimension_semantics = [#tpu.dimension_semantics<arbitrary>], iteration_bounds = array<i64: 25>, scalar_prefetch = 0 : i64, scratch_operands = 0 : i64, tpu.core_type = #tpu.core_type<tc>, window_params = [{transform_indices = @transform_0, window_bounds = array<i64: 16, 6400>}, {transform_indices = @transform_1, window_bounds = array<i64: 1, 6400>}, {transform_indices = @transform_2, window_bounds = array<i64: 1, 6400>}, {transform_indices = @transform_3, window_bounds = array<i64: 16, 6400>}, {pipeline_mode = #tpu.pipeline_mode<synchronous>, transform_indices = @transform_4, window_bounds = array<i64: 32, 16>}, {pipeline_mode = #tpu.pipeline_mode<synchronous>, transform_indices = @transform_5, window_bounds = array<i64: 32, 2>}, {pipeline_mode = #tpu.pipeline_mode<synchronous>, transform_indices = @transform_6, window_bounds = array<i64: 32, 32>}, {pipeline_mode = #tpu.pipeline_mode<synchronous>, transform_indices = @transform_7, window_bounds = array<i64: 2, 32>}, {pipeline_mode = #tpu.pipeline_mode<synchronous>, transform_indices = @transform_8, window_bounds = array<i64: 32, 33>}, {pipeline_mode = #tpu.pipeline_mode<synchronous>, transform_indices = @transform_9, window_bounds = array<i64: 2, 32>}, {pipeline_mode = #tpu.pipeline_mode<synchronous>, transform_indices = @transform_10, window_bounds = array<i64: 256, 32>}, {pipeline_mode = #tpu.pipeline_mode<synchronous>, transform_indices = @transform_11, window_bounds = array<i64: 256, 1>}, {pipeline_mode = #tpu.pipeline_mode<synchronous>, transform_indices = @transform_12, window_bounds = array<i64: 256, 16>}, {pipeline_mode = #tpu.pipeline_mode<synchronous>, transform_indices = @transform_13, window_bounds = array<i64: 16, 256>}, {transform_indices = @transform_14, window_bounds = array<i64: 16, 6400>}]} {
    %get3A = arith.constant 0 : index
    %get3A_0 = arith.constant 0 : index
    %get3A_1 = vector.load %arg7[%get3A, %get3A_0] : memref<32x32xf32, #tpu.memory_space<vmem>>, vector<32x32xf32>
    %broadcast_in_dim3A = arith.constant 1.000000e+00 : f32
    %broadcast_in_dim3A_2 = vector.broadcast %broadcast_in_dim3A : f32 to vector<1x6400xf32>
    %get3A_3 = arith.constant 0 : index
    %get3A_4 = arith.constant 0 : index
    %get3A_5 = vector.load %arg2[%get3A_3, %get3A_4] : memref<1x6400xf32, #tpu.memory_space<vmem>>, vector<1x6400xf32>
    %concatenate3A = tpu.concatenate %get3A_5, %broadcast_in_dim3A_2 in 0 : vector<1x6400xf32>, vector<1x6400xf32> -> vector<2x6400xf32>
    %get3A_6 = arith.constant 0 : index
    %get3A_7 = arith.constant 0 : index
    %get3A_8 = vector.load %arg5[%get3A_6, %get3A_7] : memref<32x16xf32, #tpu.memory_space<vmem>>, vector<32x16xf32>
    %get3A_9 = arith.constant 0 : index
    %get3A_10 = arith.constant 0 : index
    %get3A_11 = vector.load %arg1[%get3A_9, %get3A_10] : memref<16x6400xf32, #tpu.memory_space<vmem>>, vector<16x6400xf32>
    %dot_general3A = arith.constant dense<0.000000e+00> : vector<32x6400xf32>
    %dot_general3A_12 = tpu.matmul %get3A_8, %get3A_11, %dot_general3A {dimension_numbers = #tpu.dot_dimension_numbers<[1], [0], [0], [1], [0, 0, 1, 1], [], []>, transpose_lhs_hint = false} : vector<32x16xf32>, vector<16x6400xf32>, vector<32x6400xf32> -> vector<32x6400xf32>
    %get3A_13 = arith.constant 0 : index
    %get3A_14 = arith.constant 0 : index
    %get3A_15 = vector.load %arg6[%get3A_13, %get3A_14] : memref<32x2xf32, #tpu.memory_space<vmem>>, vector<32x2xf32>
    %dot_general3A_16 = arith.constant dense<0.000000e+00> : vector<32x6400xf32>
    %dot_general3A_17 = tpu.matmul %get3A_15, %concatenate3A, %dot_general3A_16 {dimension_numbers = #tpu.dot_dimension_numbers<[1], [0], [0], [1], [0, 0, 1, 1], [], []>, transpose_lhs_hint = false} : vector<32x2xf32>, vector<2x6400xf32>, vector<32x6400xf32> -> vector<32x6400xf32>
    %add3A = arith.addf %dot_general3A_12, %dot_general3A_17 : vector<32x6400xf32>
    %get3A_18 = arith.constant 0 : index
    %get3A_19 = arith.constant 0 : index
    %get3A_20 = vector.load %arg8[%get3A_18, %get3A_19] : memref<2x32xf32, #tpu.memory_space<vmem>>, vector<2x32xf32>
    %dot_general3A_21 = arith.constant dense<0.000000e+00> : vector<32x6400xf32>
    %dot_general3A_22 = tpu.matmul %get3A_1, %add3A, %dot_general3A_21 {dimension_numbers = #tpu.dot_dimension_numbers<[1], [0], [0], [1], [0, 0, 1, 1], [], []>, transpose_lhs_hint = false} : vector<32x32xf32>, vector<32x6400xf32>, vector<32x6400xf32> -> vector<32x6400xf32>
    %mul3A = arith.mulf %add3A, %add3A : vector<32x6400xf32>
    %dot_general3A_23 = arith.constant dense<0.000000e+00> : vector<32x6400xf32>
    %dot_general3A_24 = tpu.matmul %get3A_1, %mul3A, %dot_general3A_23 {dimension_numbers = #tpu.dot_dimension_numbers<[1], [0], [0], [1], [0, 0, 1, 1], [], []>, transpose_lhs_hint = false} : vector<32x32xf32>, vector<32x6400xf32>, vector<32x6400xf32> -> vector<32x6400xf32>
    %slice3A = vector.extract_strided_slice %get3A_20 {offsets = [0, 0], sizes = [1, 32], strides = [1, 1]} : vector<2x32xf32> to vector<1x32xf32>
    %transpose3A = tpu.transpose %slice3A, [1, 0] : vector<1x32xf32> -> vector<32x1xf32>
    %dot_general3A_25 = arith.constant dense<0.000000e+00> : vector<32x6400xf32>
    %dot_general3A_26 = tpu.matmul %transpose3A, %broadcast_in_dim3A_2, %dot_general3A_25 {dimension_numbers = #tpu.dot_dimension_numbers<[1], [0], [0], [1], [0, 0, 1, 1], [], []>, transpose_lhs_hint = false} : vector<32x1xf32>, vector<1x6400xf32>, vector<32x6400xf32> -> vector<32x6400xf32>
    %slice3A_27 = vector.extract_strided_slice %get3A_20 {offsets = [1, 0], sizes = [1, 32], strides = [1, 1]} : vector<2x32xf32> to vector<1x32xf32>
    %transpose3A_28 = tpu.transpose %slice3A_27, [1, 0] : vector<1x32xf32> -> vector<32x1xf32>
    %dot_general3A_29 = arith.constant dense<0.000000e+00> : vector<32x6400xf32>
    %dot_general3A_30 = tpu.matmul %transpose3A_28, %broadcast_in_dim3A_2, %dot_general3A_29 {dimension_numbers = #tpu.dot_dimension_numbers<[1], [0], [0], [1], [0, 0, 1, 1], [], []>, transpose_lhs_hint = false} : vector<32x1xf32>, vector<1x6400xf32>, vector<32x6400xf32> -> vector<32x6400xf32>
    %sub3A = arith.subf %add3A, %dot_general3A_22 : vector<32x6400xf32>
    %mul3A_31 = arith.mulf %dot_general3A_22, %dot_general3A_22 : vector<32x6400xf32>
    %sub3A_32 = arith.subf %dot_general3A_24, %mul3A_31 : vector<32x6400xf32>
    %add3A_33 = arith.constant 9.99999974E-6 : f32
    %add3A_34 = vector.broadcast %add3A_33 : f32 to vector<32x6400xf32>
    %add3A_35 = arith.addf %sub3A_32, %add3A_34 : vector<32x6400xf32>
    %rsqrt3A = math.rsqrt %add3A_35 : vector<32x6400xf32>
    %mul3A_36 = arith.mulf %sub3A, %rsqrt3A : vector<32x6400xf32>
    %mul3A_37 = arith.mulf %mul3A_36, %dot_general3A_26 : vector<32x6400xf32>
    %add3A_38 = arith.addf %mul3A_37, %dot_general3A_30 : vector<32x6400xf32>
    %max3A = arith.constant 0.000000e+00 : f32
    %max3A_39 = vector.broadcast %max3A : f32 to vector<32x6400xf32>
    %max3A_40 = arith.maximumf %add3A_38, %max3A_39 : vector<32x6400xf32>
    %get3A_41 = arith.constant 0 : index
    %get3A_42 = arith.constant 0 : index
    %get3A_43 = vector.load %arg9[%get3A_41, %get3A_42] : memref<32x33xf32, #tpu.memory_space<vmem>>, vector<32x33xf32>
    %slice3A_44 = vector.extract_strided_slice %get3A_43 {offsets = [0, 0], sizes = [32, 32], strides = [1, 1]} : vector<32x33xf32> to vector<32x32xf32>
    %dot_general3A_45 = arith.constant dense<0.000000e+00> : vector<32x6400xf32>
    %dot_general3A_46 = tpu.matmul %slice3A_44, %max3A_40, %dot_general3A_45 {dimension_numbers = #tpu.dot_dimension_numbers<[1], [0], [0], [1], [0, 0, 1, 1], [], []>, transpose_lhs_hint = false} : vector<32x32xf32>, vector<32x6400xf32>, vector<32x6400xf32> -> vector<32x6400xf32>
    %get3A_47 = arith.constant 0 : index
    %get3A_48 = arith.constant 0 : index
    %get3A_49 = vector.load %arg9[%get3A_47, %get3A_48] : memref<32x33xf32, #tpu.memory_space<vmem>>, vector<32x33xf32>
    %slice3A_50 = vector.extract_strided_slice %get3A_49 {offsets = [0, 32], sizes = [32, 1], strides = [1, 1]} : vector<32x33xf32> to vector<32x1xf32>
    %dot_general3A_51 = arith.constant dense<0.000000e+00> : vector<32x6400xf32>
    %dot_general3A_52 = tpu.matmul %slice3A_50, %broadcast_in_dim3A_2, %dot_general3A_51 {dimension_numbers = #tpu.dot_dimension_numbers<[1], [0], [0], [1], [0, 0, 1, 1], [], []>, transpose_lhs_hint = false} : vector<32x1xf32>, vector<1x6400xf32>, vector<32x6400xf32> -> vector<32x6400xf32>
    %add3A_53 = arith.addf %dot_general3A_46, %dot_general3A_52 : vector<32x6400xf32>
    %get3A_54 = arith.constant 0 : index
    %get3A_55 = arith.constant 0 : index
    %get3A_56 = vector.load %arg10[%get3A_54, %get3A_55] : memref<2x32xf32, #tpu.memory_space<vmem>>, vector<2x32xf32>
    %dot_general3A_57 = arith.constant dense<0.000000e+00> : vector<32x6400xf32>
    %dot_general3A_58 = tpu.matmul %get3A_1, %add3A_53, %dot_general3A_57 {dimension_numbers = #tpu.dot_dimension_numbers<[1], [0], [0], [1], [0, 0, 1, 1], [], []>, transpose_lhs_hint = false} : vector<32x32xf32>, vector<32x6400xf32>, vector<32x6400xf32> -> vector<32x6400xf32>
    %mul3A_59 = arith.mulf %add3A_53, %add3A_53 : vector<32x6400xf32>
    %dot_general3A_60 = arith.constant dense<0.000000e+00> : vector<32x6400xf32>
    %dot_general3A_61 = tpu.matmul %get3A_1, %mul3A_59, %dot_general3A_60 {dimension_numbers = #tpu.dot_dimension_numbers<[1], [0], [0], [1], [0, 0, 1, 1], [], []>, transpose_lhs_hint = false} : vector<32x32xf32>, vector<32x6400xf32>, vector<32x6400xf32> -> vector<32x6400xf32>
    %slice3A_62 = vector.extract_strided_slice %get3A_56 {offsets = [0, 0], sizes = [1, 32], strides = [1, 1]} : vector<2x32xf32> to vector<1x32xf32>
    %transpose3A_63 = tpu.transpose %slice3A_62, [1, 0] : vector<1x32xf32> -> vector<32x1xf32>
    %dot_general3A_64 = arith.constant dense<0.000000e+00> : vector<32x6400xf32>
    %dot_general3A_65 = tpu.matmul %transpose3A_63, %broadcast_in_dim3A_2, %dot_general3A_64 {dimension_numbers = #tpu.dot_dimension_numbers<[1], [0], [0], [1], [0, 0, 1, 1], [], []>, transpose_lhs_hint = false} : vector<32x1xf32>, vector<1x6400xf32>, vector<32x6400xf32> -> vector<32x6400xf32>
    %slice3A_66 = vector.extract_strided_slice %get3A_56 {offsets = [1, 0], sizes = [1, 32], strides = [1, 1]} : vector<2x32xf32> to vector<1x32xf32>
    %transpose3A_67 = tpu.transpose %slice3A_66, [1, 0] : vector<1x32xf32> -> vector<32x1xf32>
    %dot_general3A_68 = arith.constant dense<0.000000e+00> : vector<32x6400xf32>
    %dot_general3A_69 = tpu.matmul %transpose3A_67, %broadcast_in_dim3A_2, %dot_general3A_68 {dimension_numbers = #tpu.dot_dimension_numbers<[1], [0], [0], [1], [0, 0, 1, 1], [], []>, transpose_lhs_hint = false} : vector<32x1xf32>, vector<1x6400xf32>, vector<32x6400xf32> -> vector<32x6400xf32>
    %sub3A_70 = arith.subf %add3A_53, %dot_general3A_58 : vector<32x6400xf32>
    %mul3A_71 = arith.mulf %dot_general3A_58, %dot_general3A_58 : vector<32x6400xf32>
    %sub3A_72 = arith.subf %dot_general3A_61, %mul3A_71 : vector<32x6400xf32>
    %add3A_73 = arith.constant 9.99999974E-6 : f32
    %add3A_74 = vector.broadcast %add3A_73 : f32 to vector<32x6400xf32>
    %add3A_75 = arith.addf %sub3A_72, %add3A_74 : vector<32x6400xf32>
    %rsqrt3A_76 = math.rsqrt %add3A_75 : vector<32x6400xf32>
    %mul3A_77 = arith.mulf %sub3A_70, %rsqrt3A_76 : vector<32x6400xf32>
    %mul3A_78 = arith.mulf %mul3A_77, %dot_general3A_65 : vector<32x6400xf32>
    %add3A_79 = arith.addf %mul3A_78, %dot_general3A_69 : vector<32x6400xf32>
    %max3A_80 = arith.constant 0.000000e+00 : f32
    %max3A_81 = vector.broadcast %max3A_80 : f32 to vector<32x6400xf32>
    %max3A_82 = arith.maximumf %add3A_79, %max3A_81 : vector<32x6400xf32>
    %get3A_83 = arith.constant 0 : index
    %get3A_84 = arith.constant 0 : index
    %get3A_85 = vector.load %arg11[%get3A_83, %get3A_84] : memref<256x32xbf16, #tpu.memory_space<vmem>>, vector<256x32xbf16>
    %convert_element_type3A = arith.truncf %max3A_82 : vector<32x6400xf32> to vector<32x6400xbf16>
    %dot_general3A_86 = arith.constant dense<0.000000e+00> : vector<256x6400xf32>
    %dot_general3A_87 = tpu.matmul %get3A_85, %convert_element_type3A, %dot_general3A_86 {dimension_numbers = #tpu.dot_dimension_numbers<[1], [0], [0], [1], [0, 0, 1, 1], [], []>, transpose_lhs_hint = false} : vector<256x32xbf16>, vector<32x6400xbf16>, vector<256x6400xf32> -> vector<256x6400xf32>
    %get3A_88 = arith.constant 0 : index
    %get3A_89 = arith.constant 0 : index
    %get3A_90 = vector.load %arg12[%get3A_88, %get3A_89] : memref<256x1xf32, #tpu.memory_space<vmem>>, vector<256x1xf32>
    %dot_general3A_91 = arith.constant dense<0.000000e+00> : vector<256x6400xf32>
    %dot_general3A_92 = tpu.matmul %get3A_90, %broadcast_in_dim3A_2, %dot_general3A_91 {dimension_numbers = #tpu.dot_dimension_numbers<[1], [0], [0], [1], [0, 0, 1, 1], [], []>, transpose_lhs_hint = false} : vector<256x1xf32>, vector<1x6400xf32>, vector<256x6400xf32> -> vector<256x6400xf32>
    %add3A_93 = arith.addf %dot_general3A_87, %dot_general3A_92 : vector<256x6400xf32>
    %get3A_94 = arith.constant 0 : index
    %get3A_95 = arith.constant 0 : index
    %get3A_96 = vector.load %arg13[%get3A_94, %get3A_95] : memref<256x16xbf16, #tpu.memory_space<vmem>>, vector<256x16xbf16>
    %get3A_97 = arith.constant 0 : index
    %get3A_98 = arith.constant 0 : index
    %get3A_99 = vector.load %arg4[%get3A_97, %get3A_98] : memref<16x6400xf32, #tpu.memory_space<vmem>>, vector<16x6400xf32>
    %convert_element_type3A_100 = arith.truncf %get3A_99 : vector<16x6400xf32> to vector<16x6400xbf16>
    %dot_general3A_101 = arith.constant dense<0.000000e+00> : vector<256x6400xf32>
    %dot_general3A_102 = tpu.matmul %get3A_96, %convert_element_type3A_100, %dot_general3A_101 {dimension_numbers = #tpu.dot_dimension_numbers<[1], [0], [0], [1], [0, 0, 1, 1], [], []>, transpose_lhs_hint = false} : vector<256x16xbf16>, vector<16x6400xbf16>, vector<256x6400xf32> -> vector<256x6400xf32>
    %get3A_103 = arith.constant 0 : index
    %get3A_104 = arith.constant 0 : index
    %get3A_105 = vector.load %arg14[%get3A_103, %get3A_104] : memref<16x256xbf16, #tpu.memory_space<vmem>>, vector<16x256xbf16>
    %mul3A_106 = arith.mulf %add3A_93, %dot_general3A_102 : vector<256x6400xf32>
    %convert_element_type3A_107 = arith.truncf %mul3A_106 : vector<256x6400xf32> to vector<256x6400xbf16>
    %dot_general3A_108 = arith.constant dense<0.000000e+00> : vector<16x6400xf32>
    %dot_general3A_109 = tpu.matmul %get3A_105, %convert_element_type3A_107, %dot_general3A_108 {dimension_numbers = #tpu.dot_dimension_numbers<[1], [0], [0], [1], [0, 0, 1, 1], [], []>, transpose_lhs_hint = false} : vector<16x256xbf16>, vector<256x6400xbf16>, vector<16x6400xf32> -> vector<16x6400xf32>
    %broadcast_in_dim3A_110 = arith.constant 1.000000e+00 : f32
    %broadcast_in_dim3A_111 = vector.broadcast %broadcast_in_dim3A_110 : f32 to vector<16x1xf32>
    %get3A_112 = arith.constant 0 : index
    %get3A_113 = arith.constant 0 : index
    %get3A_114 = vector.load %arg3[%get3A_112, %get3A_113] : memref<1x6400xf32, #tpu.memory_space<vmem>>, vector<1x6400xf32>
    %dot_general3A_115 = arith.constant dense<0.000000e+00> : vector<16x6400xf32>
    %dot_general3A_116 = tpu.matmul %broadcast_in_dim3A_111, %get3A_114, %dot_general3A_115 {dimension_numbers = #tpu.dot_dimension_numbers<[1], [0], [0], [1], [0, 0, 1, 1], [], []>, transpose_lhs_hint = false} : vector<16x1xf32>, vector<1x6400xf32>, vector<16x6400xf32> -> vector<16x6400xf32>
    %mul3A_117 = arith.mulf %dot_general3A_109, %dot_general3A_116 : vector<16x6400xf32>
    %swap3A = arith.constant 0 : index
    %swap3A_118 = arith.constant 0 : index
    %swap3A_119 = vector.load %arg15[%swap3A, %swap3A_118] : memref<16x6400xf32, #tpu.memory_space<vmem>>, vector<16x6400xf32>
    tpu.vector_store %arg15[%swap3A, %swap3A_118], %mul3A_117 {strides = array<i32>} : memref<16x6400xf32, #tpu.memory_space<vmem>>, vector<16x6400xf32>,
    return
  }
  func.func @transform_0(%arg0: i32) -> (i32, i32) {
    %add3A = arith.constant 0 : i32
    %add3A_0 = arith.addi %arg0, %add3A : i32
    %c0_i32 = arith.constant 0 : i32
    %c0_i32_1 = arith.constant 0 : i32
    return %c0_i32, %add3A_0 : i32, i32
  }
  func.func @transform_1(%arg0: i32) -> (i32, i32) {
    %add3A = arith.constant 0 : i32
    %add3A_0 = arith.addi %arg0, %add3A : i32
    %c0_i32 = arith.constant 0 : i32
    %c0_i32_1 = arith.constant 0 : i32
    return %c0_i32, %add3A_0 : i32, i32
  }
  func.func @transform_2(%arg0: i32) -> (i32, i32) {
    %add3A = arith.constant 0 : i32
    %add3A_0 = arith.addi %arg0, %add3A : i32
    %c0_i32 = arith.constant 0 : i32
    %c0_i32_1 = arith.constant 0 : i32
    return %c0_i32, %add3A_0 : i32, i32
  }
  func.func @transform_3(%arg0: i32) -> (i32, i32) {
    %c0_i32 = arith.constant 0 : i32
    %c0_i32_0 = arith.constant 0 : i32
    return %c0_i32, %arg0 : i32, i32
  }
  func.func @transform_4(%arg0: i32) -> (i32, i32) {
    %c0_i32 = arith.constant 0 : i32
    %c0_i32_0 = arith.constant 0 : i32
    %c0_i32_1 = arith.constant 0 : i32
    return %c0_i32, %c0_i32_0 : i32, i32
  }
  func.func @transform_5(%arg0: i32) -> (i32, i32) {
    %c0_i32 = arith.constant 0 : i32
    %c0_i32_0 = arith.constant 0 : i32
    %c0_i32_1 = arith.constant 0 : i32
    return %c0_i32, %c0_i32_0 : i32, i32
  }
  func.func @transform_6(%arg0: i32) -> (i32, i32) {
    %c0_i32 = arith.constant 0 : i32
    %c0_i32_0 = arith.constant 0 : i32
    %c0_i32_1 = arith.constant 0 : i32
    return %c0_i32, %c0_i32_0 : i32, i32
  }
  func.func @transform_7(%arg0: i32) -> (i32, i32) {
    %c0_i32 = arith.constant 0 : i32
    %c0_i32_0 = arith.constant 0 : i32
    %c0_i32_1 = arith.constant 0 : i32
    return %c0_i32, %c0_i32_0 : i32, i32
  }
  func.func @transform_8(%arg0: i32) -> (i32, i32) {
    %c0_i32 = arith.constant 0 : i32
    %c0_i32_0 = arith.constant 0 : i32
    %c0_i32_1 = arith.constant 0 : i32
    return %c0_i32, %c0_i32_0 : i32, i32
  }
  func.func @transform_9(%arg0: i32) -> (i32, i32) {
    %c0_i32 = arith.constant 0 : i32
    %c0_i32_0 = arith.constant 0 : i32
    %c0_i32_1 = arith.constant 0 : i32
    return %c0_i32, %c0_i32_0 : i32, i32
  }
  func.func @transform_10(%arg0: i32) -> (i32, i32) {
    %c0_i32 = arith.constant 0 : i32
    %c0_i32_0 = arith.constant 0 : i32
    %c0_i32_1 = arith.constant 0 : i32
    return %c0_i32, %c0_i32_0 : i32, i32
  }
  func.func @transform_11(%arg0: i32) -> (i32, i32) {
    %c0_i32 = arith.constant 0 : i32
    %c0_i32_0 = arith.constant 0 : i32
    %c0_i32_1 = arith.constant 0 : i32
    return %c0_i32, %c0_i32_0 : i32, i32
  }
  func.func @transform_12(%arg0: i32) -> (i32, i32) {
    %c0_i32 = arith.constant 0 : i32
    %c0_i32_0 = arith.constant 0 : i32
    %c0_i32_1 = arith.constant 0 : i32
    return %c0_i32, %c0_i32_0 : i32, i32
  }
  func.func @transform_13(%arg0: i32) -> (i32, i32) {
    %c0_i32 = arith.constant 0 : i32
    %c0_i32_0 = arith.constant 0 : i32
    %c0_i32_1 = arith.constant 0 : i32
    return %c0_i32, %c0_i32_0 : i32, i32
  }
  func.func @transform_14(%arg0: i32) -> (i32, i32) {
    %c0_i32 = arith.constant 0 : i32
    %c0_i32_0 = arith.constant 0 : i32
    return %c0_i32, %arg0 : i32, i32
  }
}

module attributes {stable_mosaic.version = 14 : i64} {
  func.func @_tc_body(%arg0: i32, %arg1: memref<16x6400xf32, #tpu.memory_space<vmem>>, %arg2: memref<1x6400xf32, #tpu.memory_space<vmem>>, %arg3: memref<1x6400xf32, #tpu.memory_space<vmem>>, %arg4: memref<16x6400xf32, #tpu.memory_space<vmem>>, %arg5: memref<32x16xf32, #tpu.memory_space<vmem>>, %arg6: memref<32x2xf32, #tpu.memory_space<vmem>>, %arg7: memref<32x32xf32, #tpu.memory_space<vmem>>, %arg8: memref<2x32xf32, #tpu.memory_space<vmem>>, %arg9: memref<32x33xf32, #tpu.memory_space<vmem>>, %arg10: memref<2x32xf32, #tpu.memory_space<vmem>>, %arg11: memref<256x32xbf16, #tpu.memory_space<vmem>>, %arg12: memref<256x1xf32, #tpu.memory_space<vmem>>, %arg13: memref<256x16xbf16, #tpu.memory_space<vmem>>, %arg14: memref<16x256xbf16, #tpu.memory_space<vmem>>, %arg15: memref<16x6400xf32, #tpu.memory_space<vmem>>) attributes {dimension_semantics = [#tpu.dimension_semantics<arbitrary>], iteration_bounds = array<i64: 25>, scalar_prefetch = 0 : i64, scratch_operands = 0 : i64, tpu.core_type = #tpu.core_type<tc>, window_params = [{transform_indices = @transform_0, window_bounds = array<i64: 16, 6400>}, {transform_indices = @transform_1, window_bounds = array<i64: 1, 6400>}, {transform_indices = @transform_2, window_bounds = array<i64: 1, 6400>}, {transform_indices = @transform_3, window_bounds = array<i64: 16, 6400>}, {pipeline_mode = #tpu.pipeline_mode<synchronous>, transform_indices = @transform_4, window_bounds = array<i64: 32, 16>}, {pipeline_mode = #tpu.pipeline_mode<synchronous>, transform_indices = @transform_5, window_bounds = array<i64: 32, 2>}, {pipeline_mode = #tpu.pipeline_mode<synchronous>, transform_indices = @transform_6, window_bounds = array<i64: 32, 32>}, {pipeline_mode = #tpu.pipeline_mode<synchronous>, transform_indices = @transform_7, window_bounds = array<i64: 2, 32>}, {pipeline_mode = #tpu.pipeline_mode<synchronous>, transform_indices = @transform_8, window_bounds = array<i64: 32, 33>}, {pipeline_mode = #tpu.pipeline_mode<synchronous>, transform_indices = @transform_9, window_bounds = array<i64: 2, 32>}, {pipeline_mode = #tpu.pipeline_mode<synchronous>, transform_indices = @transform_10, window_bounds = array<i64: 256, 32>}, {pipeline_mode = #tpu.pipeline_mode<synchronous>, transform_indices = @transform_11, window_bounds = array<i64: 256, 1>}, {pipeline_mode = #tpu.pipeline_mode<synchronous>, transform_indices = @transform_12, window_bounds = array<i64: 256, 16>}, {pipeline_mode = #tpu.pipeline_mode<synchronous>, transform_indices = @transform_13, window_bounds = array<i64: 16, 256>}, {transform_indices = @transform_14, window_bounds = array<i64: 16, 6400>}]} {
    %get3A = arith.constant 0 : index
    %get3A_0 = arith.constant 0 : index
    %get3A_1 = vector.load %arg7[%get3A, %get3A_0] : memref<32x32xf32, #tpu.memory_space<vmem>>, vector<32x32xf32>
    %broadcast_in_dim3A = arith.constant 1.000000e+00 : f32
    %broadcast_in_dim3A_2 = vector.broadcast %broadcast_in_dim3A : f32 to vector<1x6400xf32>
    %get3A_3 = arith.constant 0 : index
    %get3A_4 = arith.constant 0 : index
    %get3A_5 = vector.load %arg2[%get3A_3, %get3A_4] : memref<1x6400xf32, #tpu.memory_space<vmem>>, vector<1x6400xf32>
    %concatenate3A = tpu.concatenate %get3A_5, %broadcast_in_dim3A_2 in 0 : vector<1x6400xf32>, vector<1x6400xf32> -> vector<2x6400xf32>
    %get3A_6 = arith.constant 0 : index
    %get3A_7 = arith.constant 0 : index
    %get3A_8 = vector.load %arg5[%get3A_6, %get3A_7] : memref<32x16xf32, #tpu.memory_space<vmem>>, vector<32x16xf32>
    %get3A_9 = arith.constant 0 : index
    %get3A_10 = arith.constant 0 : index
    %get3A_11 = vector.load %arg1[%get3A_9, %get3A_10] : memref<16x6400xf32, #tpu.memory_space<vmem>>, vector<16x6400xf32>
    %dot_general3A = arith.constant dense<0.000000e+00> : vector<32x6400xf32>
    %dot_general3A_12 = tpu.matmul %get3A_8, %get3A_11, %dot_general3A {dimension_numbers = #tpu.dot_dimension_numbers<[1], [0], [0], [1], [0, 0, 1, 1], [], []>, transpose_lhs_hint = false} : vector<32x16xf32>, vector<16x6400xf32>, vector<32x6400xf32> -> vector<32x6400xf32>
    %get3A_13 = arith.constant 0 : index
    %get3A_14 = arith.constant 0 : index
    %get3A_15 = vector.load %arg6[%get3A_13, %get3A_14] : memref<32x2xf32, #tpu.memory_space<vmem>>, vector<32x2xf32>
    %dot_general3A_16 = arith.constant dense<0.000000e+00> : vector<32x6400xf32>
    %dot_general3A_17 = tpu.matmul %get3A_15, %concatenate3A, %dot_general3A_16 {dimension_numbers = #tpu.dot_dimension_numbers<[1], [0], [0], [1], [0, 0, 1, 1], [], []>, transpose_lhs_hint = false} : vector<32x2xf32>, vector<2x6400xf32>, vector<32x6400xf32> -> vector<32x6400xf32>
    %add3A = arith.addf %dot_general3A_12, %dot_general3A_17 : vector<32x6400xf32>
    %get3A_18 = arith.constant 0 : index
    %get3A_19 = arith.constant 0 : index
    %get3A_20 = vector.load %arg8[%get3A_18, %get3A_19] : memref<2x32xf32, #tpu.memory_space<vmem>>, vector<2x32xf32>
    %dot_general3A_21 = arith.constant dense<0.000000e+00> : vector<32x6400xf32>
    %dot_general3A_22 = tpu.matmul %get3A_1, %add3A, %dot_general3A_21 {dimension_numbers = #tpu.dot_dimension_numbers<[1], [0], [0], [1], [0, 0, 1, 1], [], []>, transpose_lhs_hint = false} : vector<32x32xf32>, vector<32x6400xf32>, vector<32x6400xf32> -> vector<32x6400xf32>
    %mul3A = arith.mulf %add3A, %add3A : vector<32x6400xf32>
    %dot_general3A_23 = arith.constant dense<0.000000e+00> : vector<32x6400xf32>
    %dot_general3A_24 = tpu.matmul %get3A_1, %mul3A, %dot_general3A_23 {dimension_numbers = #tpu.dot_dimension_numbers<[1], [0], [0], [1], [0, 0, 1, 1], [], []>, transpose_lhs_hint = false} : vector<32x32xf32>, vector<32x6400xf32>, vector<32x6400xf32> -> vector<32x6400xf32>
    %slice3A = vector.extract_strided_slice %get3A_20 {offsets = [0, 0], sizes = [1, 32], strides = [1, 1]} : vector<2x32xf32> to vector<1x32xf32>
    %transpose3A = tpu.transpose %slice3A, [1, 0] : vector<1x32xf32> -> vector<32x1xf32>
    %dot_general3A_25 = arith.constant dense<0.000000e+00> : vector<32x6400xf32>
    %dot_general3A_26 = tpu.matmul %transpose3A, %broadcast_in_dim3A_2, %dot_general3A_25 {dimension_numbers = #tpu.dot_dimension_numbers<[1], [0], [0], [1], [0, 0, 1, 1], [], []>, transpose_lhs_hint = false} : vector<32x1xf32>, vector<1x6400xf32>, vector<32x6400xf32> -> vector<32x6400xf32>
    %slice3A_27 = vector.extract_strided_slice %get3A_20 {offsets = [1, 0], sizes = [1, 32], strides = [1, 1]} : vector<2x32xf32> to vector<1x32xf32>
    %transpose3A_28 = tpu.transpose %slice3A_27, [1, 0] : vector<1x32xf32> -> vector<32x1xf32>
    %dot_general3A_29 = arith.constant dense<0.000000e+00> : vector<32x6400xf32>
    %dot_general3A_30 = tpu.matmul %transpose3A_28, %broadcast_in_dim3A_2, %dot_general3A_29 {dimension_numbers = #tpu.dot_dimension_numbers<[1], [0], [0], [1], [0, 0, 1, 1], [], []>, transpose_lhs_hint = false} : vector<32x1xf32>, vector<1x6400xf32>, vector<32x6400xf32> -> vector<32x6400xf32>
    %sub3A = arith.subf %add3A, %dot_general3A_22 : vector<32x6400xf32>
    %mul3A_31 = arith.mulf %dot_general3A_22, %dot_general3A_22 : vector<32x6400xf32>
    %sub3A_32 = arith.subf %dot_general3A_24, %mul3A_31 : vector<32x6400xf32>
    %add3A_33 = arith.constant 9.99999974E-6 : f32
    %add3A_34 = vector.broadcast %add3A_33 : f32 to vector<32x6400xf32>
    %add3A_35 = arith.addf %sub3A_32, %add3A_34 : vector<32x6400xf32>
    %rsqrt3A = math.rsqrt %add3A_35 : vector<32x6400xf32>
    %mul3A_36 = arith.mulf %sub3A, %rsqrt3A : vector<32x6400xf32>
    %mul3A_37 = arith.mulf %mul3A_36, %dot_general3A_26 : vector<32x6400xf32>
    %add3A_38 = arith.addf %mul3A_37, %dot_general3A_30 : vector<32x6400xf32>
    %max3A = arith.constant 0.000000e+00 : f32
    %max3A_39 = vector.broadcast %max3A : f32 to vector<32x6400xf32>
    %max3A_40 = arith.maximumf %add3A_38, %max3A_39 : vector<32x6400xf32>
    %get3A_41 = arith.constant 0 : index
    %get3A_42 = arith.constant 0 : index
    %get3A_43 = vector.load %arg9[%get3A_41, %get3A_42] : memref<32x33xf32, #tpu.memory_space<vmem>>, vector<32x33xf32>
    %slice3A_44 = vector.extract_strided_slice %get3A_43 {offsets = [0, 0], sizes = [32, 32], strides = [1, 1]} : vector<32x33xf32> to vector<32x32xf32>
    %dot_general3A_45 = arith.constant dense<0.000000e+00> : vector<32x6400xf32>
    %dot_general3A_46 = tpu.matmul %slice3A_44, %max3A_40, %dot_general3A_45 {dimension_numbers = #tpu.dot_dimension_numbers<[1], [0], [0], [1], [0, 0, 1, 1], [], []>, transpose_lhs_hint = false} : vector<32x32xf32>, vector<32x6400xf32>, vector<32x6400xf32> -> vector<32x6400xf32>
    %get3A_47 = arith.constant 0 : index
    %get3A_48 = arith.constant 0 : index
    %get3A_49 = vector.load %arg9[%get3A_47, %get3A_48] : memref<32x33xf32, #tpu.memory_space<vmem>>, vector<32x33xf32>
    %slice3A_50 = vector.extract_strided_slice %get3A_49 {offsets = [0, 32], sizes = [32, 1], strides = [1, 1]} : vector<32x33xf32> to vector<32x1xf32>
    %dot_general3A_51 = arith.constant dense<0.000000e+00> : vector<32x6400xf32>
    %dot_general3A_52 = tpu.matmul %slice3A_50, %broadcast_in_dim3A_2, %dot_general3A_51 {dimension_numbers = #tpu.dot_dimension_numbers<[1], [0], [0], [1], [0, 0, 1, 1], [], []>, transpose_lhs_hint = false} : vector<32x1xf32>, vector<1x6400xf32>, vector<32x6400xf32> -> vector<32x6400xf32>
    %add3A_53 = arith.addf %dot_general3A_46, %dot_general3A_52 : vector<32x6400xf32>
    %get3A_54 = arith.constant 0 : index
    %get3A_55 = arith.constant 0 : index
    %get3A_56 = vector.load %arg10[%get3A_54, %get3A_55] : memref<2x32xf32, #tpu.memory_space<vmem>>, vector<2x32xf32>
    %dot_general3A_57 = arith.constant dense<0.000000e+00> : vector<32x6400xf32>
    %dot_general3A_58 = tpu.matmul %get3A_1, %add3A_53, %dot_general3A_57 {dimension_numbers = #tpu.dot_dimension_numbers<[1], [0], [0], [1], [0, 0, 1, 1], [], []>, transpose_lhs_hint = false} : vector<32x32xf32>, vector<32x6400xf32>, vector<32x6400xf32> -> vector<32x6400xf32>
    %mul3A_59 = arith.mulf %add3A_53, %add3A_53 : vector<32x6400xf32>
    %dot_general3A_60 = arith.constant dense<0.000000e+00> : vector<32x6400xf32>
    %dot_general3A_61 = tpu.matmul %get3A_1, %mul3A_59, %dot_general3A_60 {dimension_numbers = #tpu.dot_dimension_numbers<[1], [0], [0], [1], [0, 0, 1, 1], [], []>, transpose_lhs_hint = false} : vector<32x32xf32>, vector<32x6400xf32>, vector<32x6400xf32> -> vector<32x6400xf32>
    %slice3A_62 = vector.extract_strided_slice %get3A_56 {offsets = [0, 0], sizes = [1, 32], strides = [1, 1]} : vector<2x32xf32> to vector<1x32xf32>
    %transpose3A_63 = tpu.transpose %slice3A_62, [1, 0] : vector<1x32xf32> -> vector<32x1xf32>
    %dot_general3A_64 = arith.constant dense<0.000000e+00> : vector<32x6400xf32>
    %dot_general3A_65 = tpu.matmul %transpose3A_63, %broadcast_in_dim3A_2, %dot_general3A_64 {dimension_numbers = #tpu.dot_dimension_numbers<[1], [0], [0], [1], [0, 0, 1, 1], [], []>, transpose_lhs_hint = false} : vector<32x1xf32>, vector<1x6400xf32>, vector<32x6400xf32> -> vector<32x6400xf32>
    %slice3A_66 = vector.extract_strided_slice %get3A_56 {offsets = [1, 0], sizes = [1, 32], strides = [1, 1]} : vector<2x32xf32> to vector<1x32xf32>
    %transpose3A_67 = tpu.transpose %slice3A_66, [1, 0] : vector<1x32xf32> -> vector<32x1xf32>
    %dot_general3A_68 = arith.constant dense<0.000000e+00> : vector<32x6400xf32>
    %dot_general3A_69 = tpu.matmul %transpose3A_67, %broadcast_in_dim3A_2, %dot_general3A_68 {dimension_numbers = #tpu.dot_dimension_numbers<[1], [0], [0], [1], [0, 0, 1, 1], [], []>, transpose_lhs_hint = false} : vector<32x1xf32>, vector<1x6400xf32>, vector<32x6400xf32> -> vector<32x6400xf32>
    %sub3A_70 = arith.subf %add3A_53, %dot_general3A_58 : vector<32x6400xf32>
    %mul3A_71 = arith.mulf %dot_general3A_58, %dot_general3A_58 : vector<32x6400xf32>
    %sub3A_72 = arith.subf %dot_general3A_61, %mul3A_71 : vector<32x6400xf32>
    %add3A_73 = arith.constant 9.99999974E-6 : f32
    %add3A_74 = vector.broadcast %add3A_73 : f32 to vector<32x6400xf32>
    %add3A_75 = arith.addf %sub3A_72, %add3A_74 : vector<32x6400xf32>
    %rsqrt3A_76 = math.rsqrt %add3A_75 : vector<32x6400xf32>
    %mul3A_77 = arith.mulf %sub3A_70, %rsqrt3A_76 : vector<32x6400xf32>
    %mul3A_78 = arith.mulf %mul3A_77, %dot_general3A_65 : vector<32x6400xf32>
    %add3A_79 = arith.addf %mul3A_78, %dot_general3A_69 : vector<32x6400xf32>
    %max3A_80 = arith.constant 0.000000e+00 : f32
    %max3A_81 = vector.broadcast %max3A_80 : f32 to vector<32x6400xf32>
    %max3A_82 = arith.maximumf %add3A_79, %max3A_81 : vector<32x6400xf32>
    %get3A_83 = arith.constant 0 : index
    %get3A_84 = arith.constant 0 : index
    %get3A_85 = vector.load %arg11[%get3A_83, %get3A_84] : memref<256x32xbf16, #tpu.memory_space<vmem>>, vector<256x32xbf16>
    %convert_element_type3A = arith.truncf %max3A_82 : vector<32x6400xf32> to vector<32x6400xbf16>
    %dot_general3A_86 = arith.constant dense<0.000000e+00> : vector<256x6400xf32>
    %dot_general3A_87 = tpu.matmul %get3A_85, %convert_element_type3A, %dot_general3A_86 {dimension_numbers = #tpu.dot_dimension_numbers<[1], [0], [0], [1], [0, 0, 1, 1], [], []>, transpose_lhs_hint = false} : vector<256x32xbf16>, vector<32x6400xbf16>, vector<256x6400xf32> -> vector<256x6400xf32>
    %get3A_88 = arith.constant 0 : index
    %get3A_89 = arith.constant 0 : index
    %get3A_90 = vector.load %arg12[%get3A_88, %get3A_89] : memref<256x1xf32, #tpu.memory_space<vmem>>, vector<256x1xf32>
    %dot_general3A_91 = arith.constant dense<0.000000e+00> : vector<256x6400xf32>
    %dot_general3A_92 = tpu.matmul %get3A_90, %broadcast_in_dim3A_2, %dot_general3A_91 {dimension_numbers = #tpu.dot_dimension_numbers<[1], [0], [0], [1], [0, 0, 1, 1], [], []>, transpose_lhs_hint = false} : vector<256x1xf32>, vector<1x6400xf32>, vector<256x6400xf32> -> vector<256x6400xf32>
    %add3A_93 = arith.addf %dot_general3A_87, %dot_general3A_92 : vector<256x6400xf32>
    %get3A_94 = arith.constant 0 : index
    %get3A_95 = arith.constant 0 : index
    %get3A_96 = vector.load %arg13[%get3A_94, %get3A_95] : memref<256x16xbf16, #tpu.memory_space<vmem>>, vector<256x16xbf16>
    %get3A_97 = arith.constant 0 : index
    %get3A_98 = arith.constant 0 : index
    %get3A_99 = vector.load %arg4[%get3A_97, %get3A_98] : memref<16x6400xf32, #tpu.memory_space<vmem>>, vector<16x6400xf32>
    %convert_element_type3A_100 = arith.truncf %get3A_99 : vector<16x6400xf32> to vector<16x6400xbf16>
    %dot_general3A_101 = arith.constant dense<0.000000e+00> : vector<256x6400xf32>
    %dot_general3A_102 = tpu.matmul %get3A_96, %convert_element_type3A_100, %dot_general3A_101 {dimension_numbers = #tpu.dot_dimension_numbers<[1], [0], [0], [1], [0, 0, 1, 1], [], []>, transpose_lhs_hint = false} : vector<256x16xbf16>, vector<16x6400xbf16>, vector<256x6400xf32> -> vector<256x6400xf32>
    %get3A_103 = arith.constant 0 : index
    %get3A_104 = arith.constant 0 : index
    %get3A_105 = vector.load %arg14[%get3A_103, %get3A_104] : memref<16x256xbf16, #tpu.memory_space<vmem>>, vector<16x256xbf16>
    %mul3A_106 = arith.mulf %add3A_93, %dot_general3A_102 : vector<256x6400xf32>
    %convert_element_type3A_107 = arith.truncf %mul3A_106 : vector<256x6400xf32> to vector<256x6400xbf16>
    %dot_general3A_108 = arith.constant dense<0.000000e+00> : vector<16x6400xf32>
    %dot_general3A_109 = tpu.matmul %get3A_105, %convert_element_type3A_107, %dot_general3A_108 {dimension_numbers = #tpu.dot_dimension_numbers<[1], [0], [0], [1], [0, 0, 1, 1], [], []>, transpose_lhs_hint = false} : vector<16x256xbf16>, vector<256x6400xbf16>, vector<16x6400xf32> -> vector<16x6400xf32>
    %broadcast_in_dim3A_110 = arith.constant 1.000000e+00 : f32
    %broadcast_in_dim3A_111 = vector.broadcast %broadcast_in_dim3A_110 : f32 to vector<16x1xf32>
    %get3A_112 = arith.constant 0 : index
    %get3A_113 = arith.constant 0 : index
    %get3A_114 = vector.load %arg3[%get3A_112, %get3A_113] : memref<1x6400xf32, #tpu.memory_space<vmem>>, vector<1x6400xf32>
    %dot_general3A_115 = arith.constant dense<0.000000e+00> : vector<16x6400xf32>
    %dot_general3A_116 = tpu.matmul %broadcast_in_dim3A_111, %get3A_114, %dot_general3A_115 {dimension_numbers = #tpu.dot_dimension_numbers<[1], [0], [0], [1], [0, 0, 1, 1], [], []>, transpose_lhs_hint = false} : vector<16x1xf32>, vector<1x6400xf32>, vector<16x6400xf32> -> vector<16x6400xf32>
    %mul3A_117 = arith.mulf %dot_general3A_109, %dot_general3A_116 : vector<16x6400xf32>
    %swap3A = arith.constant 0 : index
    %swap3A_118 = arith.constant 0 : index
    %swap3A_119 = vector.load %arg15[%swap3A, %swap3A_118] : memref<16x6400xf32, #tpu.memory_space<vmem>>, vector<16x6400xf32>
    tpu.vector_store %arg15[%swap3A, %swap3A_118], %mul3A_117 {strides = array<i32>} : memref<16x6400xf32, #tpu.memory_space<vmem>>, vector<16x6400xf32>,
    return
  }
  func.func @transform_0(%arg0: i32) -> (i32, i32) {
    %add3A = arith.constant 25 : i32
    %add3A_0 = arith.addi %arg0, %add3A : i32
    %c0_i32 = arith.constant 0 : i32
    %c0_i32_1 = arith.constant 0 : i32
    return %c0_i32, %add3A_0 : i32, i32
  }
  func.func @transform_1(%arg0: i32) -> (i32, i32) {
    %add3A = arith.constant 25 : i32
    %add3A_0 = arith.addi %arg0, %add3A : i32
    %c0_i32 = arith.constant 0 : i32
    %c0_i32_1 = arith.constant 0 : i32
    return %c0_i32, %add3A_0 : i32, i32
  }
  func.func @transform_2(%arg0: i32) -> (i32, i32) {
    %add3A = arith.constant 25 : i32
    %add3A_0 = arith.addi %arg0, %add3A : i32
    %c0_i32 = arith.constant 0 : i32
    %c0_i32_1 = arith.constant 0 : i32
    return %c0_i32, %add3A_0 : i32, i32
  }
  func.func @transform_3(%arg0: i32) -> (i32, i32) {
    %c0_i32 = arith.constant 0 : i32
    %c0_i32_0 = arith.constant 0 : i32
    return %c0_i32, %arg0 : i32, i32
  }
  func.func @transform_4(%arg0: i32) -> (i32, i32) {
    %c0_i32 = arith.constant 0 : i32
    %c0_i32_0 = arith.constant 0 : i32
    %c0_i32_1 = arith.constant 0 : i32
    return %c0_i32, %c0_i32_0 : i32, i32
  }
  func.func @transform_5(%arg0: i32) -> (i32, i32) {
    %c0_i32 = arith.constant 0 : i32
    %c0_i32_0 = arith.constant 0 : i32
    %c0_i32_1 = arith.constant 0 : i32
    return %c0_i32, %c0_i32_0 : i32, i32
  }
  func.func @transform_6(%arg0: i32) -> (i32, i32) {
    %c0_i32 = arith.constant 0 : i32
    %c0_i32_0 = arith.constant 0 : i32
    %c0_i32_1 = arith.constant 0 : i32
    return %c0_i32, %c0_i32_0 : i32, i32
  }
  func.func @transform_7(%arg0: i32) -> (i32, i32) {
    %c0_i32 = arith.constant 0 : i32
    %c0_i32_0 = arith.constant 0 : i32
    %c0_i32_1 = arith.constant 0 : i32
    return %c0_i32, %c0_i32_0 : i32, i32
  }
  func.func @transform_8(%arg0: i32) -> (i32, i32) {
    %c0_i32 = arith.constant 0 : i32
    %c0_i32_0 = arith.constant 0 : i32
    %c0_i32_1 = arith.constant 0 : i32
    return %c0_i32, %c0_i32_0 : i32, i32
  }
  func.func @transform_9(%arg0: i32) -> (i32, i32) {
    %c0_i32 = arith.constant 0 : i32
    %c0_i32_0 = arith.constant 0 : i32
    %c0_i32_1 = arith.constant 0 : i32
    return %c0_i32, %c0_i32_0 : i32, i32
  }
  func.func @transform_10(%arg0: i32) -> (i32, i32) {
    %c0_i32 = arith.constant 0 : i32
    %c0_i32_0 = arith.constant 0 : i32
    %c0_i32_1 = arith.constant 0 : i32
    return %c0_i32, %c0_i32_0 : i32, i32
  }
  func.func @transform_11(%arg0: i32) -> (i32, i32) {
    %c0_i32 = arith.constant 0 : i32
    %c0_i32_0 = arith.constant 0 : i32
    %c0_i32_1 = arith.constant 0 : i32
    return %c0_i32, %c0_i32_0 : i32, i32
  }
  func.func @transform_12(%arg0: i32) -> (i32, i32) {
    %c0_i32 = arith.constant 0 : i32
    %c0_i32_0 = arith.constant 0 : i32
    %c0_i32_1 = arith.constant 0 : i32
    return %c0_i32, %c0_i32_0 : i32, i32
  }
  func.func @transform_13(%arg0: i32) -> (i32, i32) {
    %c0_i32 = arith.constant 0 : i32
    %c0_i32_0 = arith.constant 0 : i32
    %c0_i32_1 = arith.constant 0 : i32
    return %c0_i32, %c0_i32_0 : i32, i32
  }
  func.func @transform_14(%arg0: i32) -> (i32, i32) {
    %c0_i32 = arith.constant 0 : i32
    %c0_i32_0 = arith.constant 0 : i32
    return %c0_i32, %arg0 : i32, i32
  }
}

</mosaic_0001>

<sc_bundles>
// kernel: kernel.6.cloned.1.call-start
scs
__scs_entry_jumppad:
0x0: {  	(pc) =	sbr.rel $0x88, $3  }
0x1: {  	(tag) =	ssettag $0x0;
	lr =	simm.s32 $0x1  }
0x2: {  	[smem:$0x3F92] =	sst lr;
	_ =	strace $0xD0000000  }
0x3: {  	_ = 	snop  }
0x4: {  	_ = 	snop  }
0x5: {  	_ = 	snop  }
0x6: {  	_ = 	snop  }
0x7: {  	_ = 	snop  }
__scs_overlays_trampoline_lowered:
0x8: {  	[smem:$0x3FA1] =	sst s0  }
0x9: {  	[smem:$0x3FA2] =	sst s1  }
0xa: {  	[smem:$0x3FA3] =	sst s2  }
0xb: {  	[smem:$0x3FA4] =	sst s3  }
0xc: {  	[smem:$0x3FA5] =	sst s4  }
0xd: {  	[smem:$0x3FA6] =	sst s5  }
0xe: {  	[smem:$0x3FA7] =	sst s6  }
0xf: {  	[smem:$0x3FA8] =	sst s7  }
0x10: {  	[smem:$0x3FA9] =	sst s8  }
0x11: {  	[smem:$0x3FAA] =	sst s9;
	s0 =	simm.s32 @!p0 $0x0  }
0x12: {  	s1 =	sld [smem:$0x3F90];
	s0 =	simm.s32 @p0 $0x1  }
0x13: {  	[smem:$0x3FAB] =	sst s0;
	s0 =	simm.s32 @!p1 $0x0  }
0x14: {  	s2 =	sld [smem:$0x3F8F];
	s0 =	simm.s32 @p1 $0x1  }
0x15: {  	[smem:$0x3FAC] =	sst s0;
	s0 =	simm.s32 @!p2 $0x0  }
0x16: {  	s3 =	sld [smem:$0x3FDB];
	s0 =	simm.s32 @p2 $0x1  }
0x17: {  	s4 =	simm.s32 $0x1BF5;
	[smem:$0x3FAE] =	sst s0  }
0x18: {  	s0 =	sld [smem:$0x3F91];
	_ =	swait.ge [sflag:s4], $0x0  }
0x19: {  	s7 =	sld [smem:$0x3F92]  }
0x1a: {  	s8 =	sadd.s32 $0xFFFFE003, lr  }
0x1b: {  	s9 =	sadd.s32 $0xFFFFFEF7, lr;
	s5 =	simm.s32 $0xFFFFFFFF;
	p2 =	slt.u32 s8, $0xFFFFF086  }
0x1c: {  	p1 =	slt.u32 s9, $0xF7A;
	s5 =	simm.s32 @!p2 $0x0  }
0x1d: {  	s5 =	simm.s32 @p1 $0x1;
	p0 =	seq.s32 s7, s2  }
0x1e: {  	s7 =	smul.u32 @!p0 $0xF7A, s2;
	p2 =	seq.s32 @!p0 s5, $0x0  }
0x1f: {  	s9 =	smul.u32 $0xF7A, s1;
	s8 =	simm.s32 @!p0 $0x1BF5;
	p2 =	por !p2, p0  }
0x20: {  	[sflag:s8] =	ssyncset.s32 @!p0 $0xFFFFF086;
	s6 =	sadd.s32 @!p0 s3, s7;
	s7 =	simm.s32 @!p0 $0x108  }
0x21: {  	s3 =	sadd.s32 s3, s9;
	s6 =	sadd.s32 @!p0 $0x88, s6;
	s7 =	simm.s32 @p2 $0x1082  }
0x22: {  	[simem:s7], [sflag:s8] =	dma.local @!p0 [hbm:s6], $0xF7A  }
0x23: {  	s9 =	sor.u32 $0xD0000000, s2;
	s6 =	simm.s32 $0x108;
	_ =	swait.ge @!p0 [sflag:s8], $0x0  }
0x24: {  	s3 =	sadd.s32 $0x88, s3;
	s6 =	simm.s32 @!p1 $0x1082;
	[sflag:s4] =	ssyncset.s32 $0xFFFFF086  }
0x25: {  	[simem:s6], [sflag:s4] =	dma.local [hbm:s3], $0xF7A  }
0x26: {  	[smem:$0x3F92] =	sst s1;
	(tag) =	ssettag s2;
	_ =	strace s9  }
0x27: {  	s1 =	sld [smem:$0x3FA2]  }
0x28: {  	s2 =	sld [smem:$0x3FA3]  }
0x29: {  	s4 =	sld [smem:$0x3FA5]  }
0x2a: {  	p0 =	seq.s32 s5, $0x0;
	s5 =	sld [smem:$0x3FA6]  }
0x2b: {  	s6 =	sld [smem:$0x3FA7]  }
0x2c: {  	s7 =	sld [smem:$0x3FA8]  }
0x2d: {  	s3 =	simm.s32 $0x108;
	s8 =	sld [smem:$0x3FA9]  }
0x2e: {  	s3 =	simm.s32 @!p0 $0x1082;
	s9 =	sld [smem:$0x3FAA]  }
0x2f: {  	lr =	sadd.s32 s0, s3;
	s0 =	sld [smem:$0x3FA1]  }
0x30: {  	s3 =	sld [smem:$0x3FA4]  }
0x31: {  	[smem:$0x3FAD] =	sst s10  }
0x32: {  	s10 =	sld [smem:$0x3FAB];
	_ =	sdelay $0x3  }
0x33: {  	p0 =	seq.s32 s10, $0x1;
	s10 =	sld [smem:$0x3FAD];
	_ =	sdelay $0x3  }
0x34: {  	[smem:$0x3FAD] =	sst s10  }
0x35: {  	s10 =	sld [smem:$0x3FAC];
	_ =	sdelay $0x3  }
0x36: {  	p1 =	seq.s32 s10, $0x1;
	s10 =	sld [smem:$0x3FAD];
	_ =	sdelay $0x3  }
0x37: {  	[smem:$0x3FAD] =	sst s10  }
0x38: {  	s10 =	sld [smem:$0x3FAE]  }
0x39: {  	_ = 	snop;
	(pc) =	sbr.ind lr, $3  }
0x3a: {  	_ = 	snop  }
0x3b: {  	_ = 	snop  }
0x3c: {  	p2 =	seq.s32 s10, $0x1;
	s10 =	sld [smem:$0x3FAD]  }
0x3d: {  	_ =	shalt  }
0x3e: {  	_ =	shalt  }
0x3f: {  	_ =	shalt  }
0x40: {  	_ =	shalt  }
0x41: {  	_ =	shalt  }
0x42: {  	_ =	shalt  }
0x43: {  	_ =	shalt  }
0x44: {  	_ =	shalt  }
0x45: {  	_ =	shalt  }
0x46: {  	_ =	shalt  }
0x47: {  	_ =	shalt  }
0x48: {  	_ =	shalt  }
0x49: {  	_ =	shalt  }
0x4a: {  	_ =	shalt  }
0x4b: {  	_ =	shalt  }
0x4c: {  	_ =	shalt  }
0x4d: {  	_ =	shalt  }
0x4e: {  	_ =	shalt  }
0x4f: {  	_ =	shalt  }
0x50: {  	_ =	shalt  }
0x51: {  	_ =	shalt  }
0x52: {  	_ =	shalt  }
0x53: {  	_ =	shalt  }
0x54: {  	_ =	shalt  }
0x55: {  	_ =	shalt  }
0x56: {  	_ =	shalt  }
0x57: {  	_ =	shalt  }
0x58: {  	_ =	shalt  }
0x59: {  	_ =	shalt  }
0x5a: {  	_ =	shalt  }
0x5b: {  	_ =	shalt  }
0x5c: {  	_ =	shalt  }
0x5d: {  	_ =	shalt  }
0x5e: {  	_ =	shalt  }
0x5f: {  	_ =	shalt  }
0x60: {  	_ =	shalt  }
0x61: {  	_ =	shalt  }
0x62: {  	_ =	shalt  }
0x63: {  	_ =	shalt  }
0x64: {  	_ =	shalt  }
0x65: {  	_ =	shalt  }
0x66: {  	_ =	shalt  }
0x67: {  	_ =	shalt  }
0x68: {  	_ =	shalt  }
0x69: {  	_ =	shalt  }
0x6a: {  	_ =	shalt  }
0x6b: {  	_ =	shalt  }
0x6c: {  	_ =	shalt  }
0x6d: {  	_ =	shalt  }
0x6e: {  	_ =	shalt  }
0x6f: {  	_ =	shalt  }
0x70: {  	_ =	shalt  }
0x71: {  	_ =	shalt  }
0x72: {  	_ =	shalt  }
0x73: {  	_ =	shalt  }
0x74: {  	_ =	shalt  }
0x75: {  	_ =	shalt  }
0x76: {  	_ =	shalt  }
0x77: {  	_ =	shalt  }
0x78: {  	_ =	shalt  }
0x79: {  	_ =	shalt  }
0x7a: {  	_ =	shalt  }
0x7b: {  	_ =	shalt  }
0x7c: {  	_ =	shalt  }
0x7d: {  	_ =	shalt  }
0x7e: {  	_ =	shalt  }
0x7f: {  	_ =	shalt  }
0x80: {  	_ =	shalt  }
0x81: {  	_ =	shalt  }
0x82: {  	_ =	shalt  }
0x83: {  	_ =	shalt  }
0x84: {  	_ =	shalt  }
0x85: {  	_ =	shalt  }
0x86: {  	_ =	shalt  }
0x87: {  	_ =	shalt  }
.Lfunc_end0:
.L_simem_size_0:
called_computation_lowered:
.L_overlay_start_0:
0x88: {  	s2 =	sld [smem:$0x3FD9]  }
0x89: {  	s3 =	sld [smem:$0x3FFE];
	_ =	sdelay $0x1  }
0x8a: {  	s1 =	srdreg.scid  }
0x8b: {  	s0 =	sand.u32 $0x1, s1  }
0x8c: {  	s16 =	sshll.u32 s0, $0xA;
	s2 =	sadd.s32 s3, s2  }
0x8d: {  	s2 =	sadd.s32 s2, s16  }
0x8e: {  	[smem:$0x3FB9] =	sst s2  }
0x8f: {  	_ = 	snop  }
0x90: {  	(tm) =	ssettm $0x1  }
0x91: {  	s17 =	sld [smem:$0x3FFB];
	_ =	sdelay $0x3  }
0x92: {  	_ =	strace s17  }
0x93: {  	s2 =	sld [smem:$0x3FFC];
	_ =	sdelay $0x3  }
0x94: {  	_ =	strace s2  }
0x95: {  	s2 =	sld [smem:$0x3FFD];
	_ =	sdelay $0x3  }
0x96: {  	_ =	strace s2  }
0x97: {  	_ =	strace $0x8FFFFFFF  }
0x98: {  	s18 =	sld [smem:$0x3FDB];
	_ =	sdelay $0x1  }
0x99: {  	s19 =	simm.s32 $_scs_section_size  }
0x9a: {  	s4 =	simm.s32 $_size__tile_overlayer_lowered;
	s5 =	simm.s32 $_tile_overlayer_lowered  }
0x9b: {  	s22 =	simm.s32 $0x1BFF;
	s21 =	sshll.u32 s5, $0x1;
	s2 =	sadd.s32 s19, s18  }
0x9c: {  	s6 =	simm.s32 $0x0;
	s20 =	sshll.u32 s4, $0x1;
	s4 =	sadd.s32 s21, s2  }
0x9d: {  	[timem:s6], [sflag:s22] =	dma.local [hbm:s4], s20  }
0x9e: {  	_ =	swait.ge [sflag:s22], s20  }
0x9f: {  	s3 =	ssub.s32 $0x0, s20;
	[sflag:s22] =	ssyncset.done $0x0  }
0xa0: {  	[sflag:s22] =	ssyncadd.s32 s3;
	_ =	sdelay $0x1  }
0xa1: {  	s23 =	simm.s32 $0x1B8B  }
0xa2: {  	_ =	swait.ge [sflag:s23], $0x1  }
0xa3: {  	[sflag:s23] =	ssyncset.done $0x0  }
0xa4: {  	s25 =	simm.s32 $0x1B8E;
	s24 =	sld [smem:$0x3FFE];
	[sflag:s23] =	ssyncadd.s32 $0xFFFFFFFF  }
0xa5: {  	s26 =	simm.s32 $execute0_lowered;
	[smem:$0x3FD2] =	sst s25  }
0xa6: {  	s4 =	sshll.u32 s26, $0x1;
	_ =	strace $0x80000046;
	[dreg:$0x1] =	wrdreg $0xFFFFFFFF  }
0xa7: {  	s28 =	simm.s32 $_size_execute0_lowered;
	s2 =	sadd.s32 s2, s4;
	[dreg:$0x0] =	wrdreg $0x0  }
0xa8: {  	s4 =	sshll.u32 s28, $0x1;
	[dreg:$0x2] =	wrdreg s2  }
0xa9: {  	[dreg:$0x3] =	wrdreg s4  }
0xaa: {  	[dreg:$0x4] =	wrdreg $0xC0  }
0xab: {  	_ =	task [dreg:s6], $0x5FFFF  }
0xac: {  	[dreg:$0x1] =	wrdreg $0xFFFFFFFF  }
0xad: {  	[dreg:$0x0] =	wrdreg $0x60  }
0xae: {  	[dreg:$0x2] =	wrdreg s24  }
0xaf: {  	[dreg:$0x3] =	wrdreg $0x9  }
0xb0: {  	_ =	task.clear_ibuf [dreg:s6], $0x4FFFF;
	_ =	strace $0x90000046  }
0xb1: {  	s29 =	simm.s32 $0x9;
	_ =	strace $0x80000048  }
0xb2: {  	_ =	swait.ge [sflag:s29], $0x1  }
0xb3: {  	[sflag:s29] =	ssyncadd.s32 $0xFFFFFFFF  }
0xb4: {  	_ =	strace $0x90000048  }
0xb5: {  	_ =	sfence  }
0xb6: {  	s30 =	sld [smem:$0x0];
	_ =	sdelay $0x2  }
0xb7: {  	s31 =	sshll.u32 s1, $0xD;
	s1 =	sshrl.u32 s1, $0x2  }
0xb8: {  	s3 =	sand.u32 $0x4000, s31;
	s1 =	sadd.s32 s1, s30  }
0xb9: {  	s0 =	sor.u32 s3, s0;
	s1 =	sshll.u32 s1, $0x11  }
0xba: {  	s0 =	sor.u32 s1, s0  }
0xbb: {  	s0 =	sadd.s32 $0x8F2B, s0  }
0xbc: {  	[sflag:s0] =	ssyncadd.remote.s32 $0x1  }
0xbd: {  	_ =	sfence.sel $0xFFFF  }
0xbe: {  	[dreg:$0x0] =	wrdreg $0xFFFFFFFF;
	(pc) =	sbr.abs _section_cstart, $3  }
0xbf: {  	[dreg:$0x1] =	wrdreg $0xFFFFFFFF  }
0xc0: {  	_ =	task.clear_ibuf [dreg:s6], $0x2FFFF;
	_ =	strace $0x9FFFFFFF  }
0xc1: {  	(tm) =	ssettm $0x7FFFFFFF  }
tec
execute0_lowered:
.L_overlay_start_1:
0x0: {  	(tag) =	ssettag $0x1  }
0x1: {  	s1 =	srdreg.scid;
	s0 =	stileid.u32  }
0x2: {  	s6 =	sand.u32 $0x1, s1;
	s30 =	sshll.u32 s0, $0x1  }
0x3: {  	s8 =	rddreg [dreg:$0x0];
	s7 =	sor.u32 s6, s30  }
0x4: {  	s2 =	simm.s32 $0x0;
	s1 =	rddreg [dreg:$0x1];
	s3 =	smul.u32 $0x271, s7  }
0x5: {  	[smem:$0x7FF] =	sst s2;
	s5 =	sadd.s32 $0x7000, s8  }
0x6: {  	_ =	strace $0x80000047;
	s10 =	ssub.s32 $0x2, s6;
	s3 =	sadd.s32 s3, s8  }
0x7: {  	s6 =	simm.s32 $0x1388;
	s4 =	sadd.s32 $0x2000, s3;
	s3 =	simm.s32 $0x2  }
0x8: {  	[tilespmem:s2], [sflag:$0x2] =	stream.linear.gather [hbm4b:s4+s2], $0x1388, $0x38;
	[tilespmem:$0x14C08] =	vst v63  }
0x9: {  	s9 =	smul.u32 $0x2710, s7;
	s11 =	sshrl.u32 s10, $0x1;
	_ =	swait.ge [sflag:s3], $0x1388  }
0xa: {  	s7 =	simm.s32 $0x1;
	s31 =	ssub.s32 s10, s11;
	[sflag:s3] =	ssyncset.done $0x0  }
0xb: {  	s8 =	sadd.s32 s9, s8;
	s9 =	smax.u32 s31, $0x1;
	[sflag:s3] =	ssyncadd.s32 $0xFFFFEC78  }
0xc: {  	[tilespmem:s6], [sflag:$0x1] =	stream.indirect.gather [hbm4b:s5+s6], $0x10, s2, s6, $0xb8;
	[tilespmem:$0x14C08] =	vst v63  }
0xd: {  	p0 =	sne.s32 s9, $0x1;
	_ =	swait.ge [sflag:s7], $0x13880  }
.Ltmp0:
0xe: {  	[sflag:s7] =	ssyncset.done $0x0;
	(pc) =	sbr.rel @!p0 .LBB2_2-.Ltmp0, $4  }
0xf: {  	s8 =	sadd.s32 $0xC000, s8;
	[sflag:s7] =	ssyncadd.s32 $0xFFFEC780  }
0x10: {  	[hbm4b:s8+s2] =	stream.linear.scatter [tilespmem:s6], [sflag:$0x2], $0x13880, $0x38;
	[tilespmem:$0x14C08] =	vst v63  }
0x11: {  	_ =	swait.ge [sflag:s3], $0x13880  }
0x12: {  	s9 =	sadd.s32 $0xFFFFFFFF, s9;
	[sflag:s3] =	ssyncset.done $0x0  }
.LBB2_1:
0x13: {  	p0 =	sne.s32 s9, $0x1;
	s9 =	sadd.s32 $0xFFFFFFFF, s9;
	[sflag:s3] =	ssyncadd.s32 $0xFFFEC780  }
0x14: {  	[tilespmem:s2], [sflag:$0x2] =	stream.linear.gather [hbm4b:s4+s2], $0x1388, $0x38;
	[tilespmem:$0x14C08] =	vst v63  }
0x15: {  	_ =	swait.ge [sflag:s3], $0x1388  }
0x16: {  	[sflag:s3] =	ssyncset.done $0x0  }
0x17: {  	[sflag:s3] =	ssyncadd.s32 $0xFFFFEC78  }
0x18: {  	[tilespmem:s6], [sflag:$0x1] =	stream.indirect.gather [hbm4b:s5+s6], $0x10, s2, s6, $0xb8;
	[tilespmem:$0x14C08] =	vst v63  }
0x19: {  	_ =	swait.ge [sflag:s7], $0x13880  }
.Ltmp1:
0x1a: {  	[sflag:s7] =	ssyncset.done $0x0;
	(pc) =	sbr.rel @p0 .LBB2_1-.Ltmp1, $4  }
0x1b: {  	[sflag:s7] =	ssyncadd.s32 $0xFFFEC780  }
0x1c: {  	[hbm4b:s8+s2] =	stream.linear.scatter [tilespmem:s6], [sflag:$0x2], $0x13880, $0x38;
	[tilespmem:$0x14C08] =	vst v63  }
0x1d: {  	_ =	swait.ge [sflag:s3], $0x13880  }
0x1e: {  	[sflag:s3] =	ssyncset.done $0x0  }
.LBB2_2:
0x1f: {  	[sflag:s3] =	ssyncadd.s32 $0xFFFEC780  }
0x20: {  	_ =	sfence.sel $0x180000  }
0x21: {  	[bflag:$0x0] =	sbarrier.arrive $0xFFFF  }
0x22: {  	p0 =	sne.s32 s0, $0x0;
	_ =	strace $0x90000047  }
0x23: {  	s0 =	sadd.s32 @!p0 $0x100000, s1;
	[bflag:$0x2] =	sbarrier.arrive $0xFFFF  }
0x24: {  	[sflag:s0] =	ssyncadd.tile.s32 @!p0 $0x1;
	_ =	shalt  }
.Lfunc_end2:
_tile_overlayer_lowered:
.L_overlay_start_2:
0x25: {  	(tag) =	ssettag $0x2  }
0x26: {  	s0 =	rddreg [dreg:$0x0];
	s2 =	stileid.u32  }
0x27: {  	s1 =	rddreg [dreg:$0x1];
	p0 =	sne.s32 s2, $0x0  }
0x28: {  	s3 =	rddreg [dreg:$0x2];
	[bflag:$0x3] =	sbarrier.arrive $0xFFFF;
	s2 =	simm.s32 @!p0 $0x1C02  }
0x29: {  	[timem:s3], [sflag:s2] =	dma.local @!p0 [hbm:s0], s1  }
0x2a: {  	s0 =	simm.s32 @!p0 $0x2  }
0x2b: {  	_ =	swait.ge @!p0 [sflag:s0], s1  }
0x2c: {  	s1 =	ssub.s32 @!p0 $0x0, s1;
	[sflag:s0] =	ssyncset.done @!p0 $0x0  }
0x2d: {  	[sflag:s0] =	ssyncadd.s32 @!p0 s1  }
0x2e: {  	[bflag:$0x3] =	sbarrier.arrive $0xFFFF  }
0x2f: {  	_ =	shalt  }

// kernel: kernel.9.cloned.1.call-start
scs
__scs_entry_jumppad:
0x0: {  	(pc) =	sbr.rel $0x88, $3  }
0x1: {  	(tag) =	ssettag $0x0;
	lr =	simm.s32 $0x1  }
0x2: {  	[smem:$0x3F92] =	sst lr;
	_ =	strace $0xD0000000  }
0x3: {  	_ = 	snop  }
0x4: {  	_ = 	snop  }
0x5: {  	_ = 	snop  }
0x6: {  	_ = 	snop  }
0x7: {  	_ = 	snop  }
__scs_overlays_trampoline_lowered:
0x8: {  	[smem:$0x3FA1] =	sst s0  }
0x9: {  	[smem:$0x3FA2] =	sst s1  }
0xa: {  	[smem:$0x3FA3] =	sst s2  }
0xb: {  	[smem:$0x3FA4] =	sst s3  }
0xc: {  	[smem:$0x3FA5] =	sst s4  }
0xd: {  	[smem:$0x3FA6] =	sst s5  }
0xe: {  	[smem:$0x3FA7] =	sst s6  }
0xf: {  	[smem:$0x3FA8] =	sst s7  }
0x10: {  	[smem:$0x3FA9] =	sst s8  }
0x11: {  	[smem:$0x3FAA] =	sst s9;
	s0 =	simm.s32 @!p0 $0x0  }
0x12: {  	s1 =	sld [smem:$0x3F90];
	s0 =	simm.s32 @p0 $0x1  }
0x13: {  	[smem:$0x3FAB] =	sst s0;
	s0 =	simm.s32 @!p1 $0x0  }
0x14: {  	s2 =	sld [smem:$0x3F8F];
	s0 =	simm.s32 @p1 $0x1  }
0x15: {  	[smem:$0x3FAC] =	sst s0;
	s0 =	simm.s32 @!p2 $0x0  }
0x16: {  	s3 =	sld [smem:$0x3FDB];
	s0 =	simm.s32 @p2 $0x1  }
0x17: {  	s4 =	simm.s32 $0x1BF5;
	[smem:$0x3FAE] =	sst s0  }
0x18: {  	s0 =	sld [smem:$0x3F91];
	_ =	swait.ge [sflag:s4], $0x0  }
0x19: {  	s7 =	sld [smem:$0x3F92]  }
0x1a: {  	s8 =	sadd.s32 $0xFFFFE003, lr  }
0x1b: {  	s9 =	sadd.s32 $0xFFFFFEF7, lr;
	s5 =	simm.s32 $0xFFFFFFFF;
	p2 =	slt.u32 s8, $0xFFFFF086  }
0x1c: {  	p1 =	slt.u32 s9, $0xF7A;
	s5 =	simm.s32 @!p2 $0x0  }
0x1d: {  	s5 =	simm.s32 @p1 $0x1;
	p0 =	seq.s32 s7, s2  }
0x1e: {  	s7 =	smul.u32 @!p0 $0xF7A, s2;
	p2 =	seq.s32 @!p0 s5, $0x0  }
0x1f: {  	s9 =	smul.u32 $0xF7A, s1;
	s8 =	simm.s32 @!p0 $0x1BF5;
	p2 =	por !p2, p0  }
0x20: {  	[sflag:s8] =	ssyncset.s32 @!p0 $0xFFFFF086;
	s6 =	sadd.s32 @!p0 s3, s7;
	s7 =	simm.s32 @!p0 $0x108  }
0x21: {  	s3 =	sadd.s32 s3, s9;
	s6 =	sadd.s32 @!p0 $0x88, s6;
	s7 =	simm.s32 @p2 $0x1082  }
0x22: {  	[simem:s7], [sflag:s8] =	dma.local @!p0 [hbm:s6], $0xF7A  }
0x23: {  	s9 =	sor.u32 $0xD0000000, s2;
	s6 =	simm.s32 $0x108;
	_ =	swait.ge @!p0 [sflag:s8], $0x0  }
0x24: {  	s3 =	sadd.s32 $0x88, s3;
	s6 =	simm.s32 @!p1 $0x1082;
	[sflag:s4] =	ssyncset.s32 $0xFFFFF086  }
0x25: {  	[simem:s6], [sflag:s4] =	dma.local [hbm:s3], $0xF7A  }
0x26: {  	[smem:$0x3F92] =	sst s1;
	(tag) =	ssettag s2;
	_ =	strace s9  }
0x27: {  	s1 =	sld [smem:$0x3FA2]  }
0x28: {  	s2 =	sld [smem:$0x3FA3]  }
0x29: {  	s4 =	sld [smem:$0x3FA5]  }
0x2a: {  	p0 =	seq.s32 s5, $0x0;
	s5 =	sld [smem:$0x3FA6]  }
0x2b: {  	s6 =	sld [smem:$0x3FA7]  }
0x2c: {  	s7 =	sld [smem:$0x3FA8]  }
0x2d: {  	s3 =	simm.s32 $0x108;
	s8 =	sld [smem:$0x3FA9]  }
0x2e: {  	s3 =	simm.s32 @!p0 $0x1082;
	s9 =	sld [smem:$0x3FAA]  }
0x2f: {  	lr =	sadd.s32 s0, s3;
	s0 =	sld [smem:$0x3FA1]  }
0x30: {  	s3 =	sld [smem:$0x3FA4]  }
0x31: {  	[smem:$0x3FAD] =	sst s10  }
0x32: {  	s10 =	sld [smem:$0x3FAB];
	_ =	sdelay $0x3  }
0x33: {  	p0 =	seq.s32 s10, $0x1;
	s10 =	sld [smem:$0x3FAD];
	_ =	sdelay $0x3  }
0x34: {  	[smem:$0x3FAD] =	sst s10  }
0x35: {  	s10 =	sld [smem:$0x3FAC];
	_ =	sdelay $0x3  }
0x36: {  	p1 =	seq.s32 s10, $0x1;
	s10 =	sld [smem:$0x3FAD];
	_ =	sdelay $0x3  }
0x37: {  	[smem:$0x3FAD] =	sst s10  }
0x38: {  	s10 =	sld [smem:$0x3FAE]  }
0x39: {  	_ = 	snop;
	(pc) =	sbr.ind lr, $3  }
0x3a: {  	_ = 	snop  }
0x3b: {  	_ = 	snop  }
0x3c: {  	p2 =	seq.s32 s10, $0x1;
	s10 =	sld [smem:$0x3FAD]  }
0x3d: {  	_ =	shalt  }
0x3e: {  	_ =	shalt  }
0x3f: {  	_ =	shalt  }
0x40: {  	_ =	shalt  }
0x41: {  	_ =	shalt  }
0x42: {  	_ =	shalt  }
0x43: {  	_ =	shalt  }
0x44: {  	_ =	shalt  }
0x45: {  	_ =	shalt  }
0x46: {  	_ =	shalt  }
0x47: {  	_ =	shalt  }
0x48: {  	_ =	shalt  }
0x49: {  	_ =	shalt  }
0x4a: {  	_ =	shalt  }
0x4b: {  	_ =	shalt  }
0x4c: {  	_ =	shalt  }
0x4d: {  	_ =	shalt  }
0x4e: {  	_ =	shalt  }
0x4f: {  	_ =	shalt  }
0x50: {  	_ =	shalt  }
0x51: {  	_ =	shalt  }
0x52: {  	_ =	shalt  }
0x53: {  	_ =	shalt  }
0x54: {  	_ =	shalt  }
0x55: {  	_ =	shalt  }
0x56: {  	_ =	shalt  }
0x57: {  	_ =	shalt  }
0x58: {  	_ =	shalt  }
0x59: {  	_ =	shalt  }
0x5a: {  	_ =	shalt  }
0x5b: {  	_ =	shalt  }
0x5c: {  	_ =	shalt  }
0x5d: {  	_ =	shalt  }
0x5e: {  	_ =	shalt  }
0x5f: {  	_ =	shalt  }
0x60: {  	_ =	shalt  }
0x61: {  	_ =	shalt  }
0x62: {  	_ =	shalt  }
0x63: {  	_ =	shalt  }
0x64: {  	_ =	shalt  }
0x65: {  	_ =	shalt  }
0x66: {  	_ =	shalt  }
0x67: {  	_ =	shalt  }
0x68: {  	_ =	shalt  }
0x69: {  	_ =	shalt  }
0x6a: {  	_ =	shalt  }
0x6b: {  	_ =	shalt  }
0x6c: {  	_ =	shalt  }
0x6d: {  	_ =	shalt  }
0x6e: {  	_ =	shalt  }
0x6f: {  	_ =	shalt  }
0x70: {  	_ =	shalt  }
0x71: {  	_ =	shalt  }
0x72: {  	_ =	shalt  }
0x73: {  	_ =	shalt  }
0x74: {  	_ =	shalt  }
0x75: {  	_ =	shalt  }
0x76: {  	_ =	shalt  }
0x77: {  	_ =	shalt  }
0x78: {  	_ =	shalt  }
0x79: {  	_ =	shalt  }
0x7a: {  	_ =	shalt  }
0x7b: {  	_ =	shalt  }
0x7c: {  	_ =	shalt  }
0x7d: {  	_ =	shalt  }
0x7e: {  	_ =	shalt  }
0x7f: {  	_ =	shalt  }
0x80: {  	_ =	shalt  }
0x81: {  	_ =	shalt  }
0x82: {  	_ =	shalt  }
0x83: {  	_ =	shalt  }
0x84: {  	_ =	shalt  }
0x85: {  	_ =	shalt  }
0x86: {  	_ =	shalt  }
0x87: {  	_ =	shalt  }
.Lfunc_end0:
.L_simem_size_0:
called_computation.1_lowered:
.L_overlay_start_0:
0x88: {  	s2 =	sld [smem:$0x3FD9]  }
0x89: {  	s3 =	sld [smem:$0x3FFE];
	_ =	sdelay $0x1  }
0x8a: {  	s1 =	srdreg.scid  }
0x8b: {  	s0 =	sand.u32 $0x1, s1  }
0x8c: {  	s17 =	sshll.u32 s0, $0xA;
	s2 =	sadd.s32 s3, s2  }
0x8d: {  	s2 =	sadd.s32 s2, s17  }
0x8e: {  	[smem:$0x3FB9] =	sst s2  }
0x8f: {  	_ = 	snop  }
0x90: {  	s18 =	sld [smem:$0x3FD0];
	(tm) =	ssettm $0x1  }
0x91: {  	s19 =	sld [smem:$0x3FFB];
	_ =	sdelay $0x3  }
0x92: {  	_ =	strace s19  }
0x93: {  	s2 =	sld [smem:$0x3FFC];
	_ =	sdelay $0x3  }
0x94: {  	_ =	strace s2  }
0x95: {  	s2 =	sld [smem:$0x3FFD];
	_ =	sdelay $0x3  }
0x96: {  	_ =	strace s2  }
0x97: {  	_ =	strace $0x8FFFFFFF  }
0x98: {  	s20 =	sld [smem:$0x3FDB];
	_ =	sdelay $0x1  }
0x99: {  	s4 =	simm.s32 $_scs_section_size  }
0x9a: {  	s5 =	simm.s32 $_size__tile_overlayer_lowered;
	s6 =	simm.s32 $_tile_overlayer_lowered  }
0x9b: {  	s7 =	simm.s32 $0x1BFF;
	s21 =	sshll.u32 s6, $0x1;
	s4 =	sadd.s32 s4, s20  }
0x9c: {  	s22 =	simm.s32 $0x0;
	s5 =	sshll.u32 s5, $0x1;
	s6 =	sadd.s32 s21, s4  }
0x9d: {  	[timem:s22], [sflag:s7] =	dma.local [hbm:s6], s5  }
0x9e: {  	_ =	swait.ge [sflag:s7], s5  }
0x9f: {  	s5 =	ssub.s32 $0x0, s5;
	[sflag:s7] =	ssyncset.done $0x0  }
0xa0: {  	[sflag:s7] =	ssyncadd.s32 s5;
	_ =	sdelay $0x1  }
0xa1: {  	s23 =	simm.s32 $0x1B8B  }
0xa2: {  	_ =	swait.ge [sflag:s23], $0x1  }
0xa3: {  	[sflag:s23] =	ssyncset.done $0x0  }
0xa4: {  	[sflag:s23] =	ssyncadd.s32 $0xFFFFFFFF  }
0xa5: {  	s5 =	sld [smem:$0x0]  }
0xa6: {  	s6 =	sand.u32 $0xFFFFFFFE, s1  }
0xa7: {  	p0 =	sne.s32 s1, s6  }
0xa8: {  	s6 =	sshll.u32 @p0 s6, $0xE  }
0xa9: {  	s6 =	sadd.s32 @p0 $0x11B8D, s6;
	s7 =	sshll.u32 @p0 s5, $0x11  }
0xaa: {  	s6 =	sor.u32 @p0 s7, s6  }
0xab: {  	[sflag:s6] =	ssyncadd.remote.s32 @p0 $0x1;
	_ =	sdelay $0x1  }
0xac: {  	s6 =	simm.s32 @p0 $0x1B8D  }
0xad: {  	_ =	swait.eq @p0 [sflag:s6], $0x1  }
0xae: {  	[sflag:s6] =	ssyncadd.s32 @p0 $0xFFFFFFFF  }
0xaf: {  	s7 =	sshll.u32 @!p0 s1, $0xE  }
0xb0: {  	s7 =	sor.u32 @!p0 $0x4000, s7;
	s6 =	simm.s32 @!p0 $0x1B8D  }
0xb1: {  	s5 =	sshll.u32 @!p0 s5, $0x11;
	s7 =	sadd.s32 @!p0 $0x11B8D, s7;
	_ =	swait.eq @!p0 [sflag:s6], $0x1  }
0xb2: {  	s5 =	sor.u32 @!p0 s5, s7;
	[sflag:s6] =	ssyncadd.s32 @!p0 $0xFFFFFFFF  }
0xb3: {  	s25 =	simm.s32 $0x1B8E;
	s24 =	sld [smem:$0x3FFE];
	[sflag:s5] =	ssyncadd.remote.s32 @!p0 $0x1  }
0xb4: {  	s26 =	simm.s32 $execute0_lowered;
	[smem:$0x3FD2] =	sst s25  }
0xb5: {  	s6 =	sshll.u32 s26, $0x1;
	_ =	strace $0x80000049;
	[dreg:$0x1] =	wrdreg $0xFFFFFFFF  }
0xb6: {  	s28 =	simm.s32 $_size_execute0_lowered;
	s4 =	sadd.s32 s4, s6;
	[dreg:$0x0] =	wrdreg $0x0  }
0xb7: {  	s6 =	sshll.u32 s28, $0x1;
	[dreg:$0x2] =	wrdreg s4  }
0xb8: {  	[dreg:$0x3] =	wrdreg s6  }
0xb9: {  	[dreg:$0x4] =	wrdreg $0xC0  }
0xba: {  	_ =	task [dreg:s22], $0x5FFFF  }
0xbb: {  	[dreg:$0x1] =	wrdreg $0xFFFFFFFF  }
0xbc: {  	[dreg:$0x0] =	wrdreg $0x60  }
0xbd: {  	[dreg:$0x2] =	wrdreg s24  }
0xbe: {  	[dreg:$0x3] =	wrdreg s18  }
0xbf: {  	[dreg:$0x4] =	wrdreg $0xA  }
0xc0: {  	_ =	task.clear_ibuf [dreg:s22], $0x5FFFF;
	_ =	strace $0x90000049  }
0xc1: {  	s29 =	simm.s32 $0xA;
	_ =	strace $0x8000004B  }
0xc2: {  	_ =	swait.ge [sflag:s29], $0x1  }
0xc3: {  	[sflag:s29] =	ssyncadd.s32 $0xFFFFFFFF  }
0xc4: {  	_ =	strace $0x9000004B  }
0xc5: {  	_ =	sfence  }
0xc6: {  	s30 =	sld [smem:$0x0];
	_ =	sdelay $0x2  }
0xc7: {  	s31 =	sshll.u32 s1, $0xD;
	s1 =	sshrl.u32 s1, $0x2  }
0xc8: {  	s4 =	sand.u32 $0x4000, s31;
	s1 =	sadd.s32 s1, s30  }
0xc9: {  	s0 =	sor.u32 s4, s0;
	s1 =	sshll.u32 s1, $0x11  }
0xca: {  	s0 =	sor.u32 s1, s0  }
0xcb: {  	s0 =	sadd.s32 $0x8F2B, s0  }
0xcc: {  	[sflag:s0] =	ssyncadd.remote.s32 $0x1  }
0xcd: {  	_ =	sfence.sel $0xFFFF  }
0xce: {  	[dreg:$0x0] =	wrdreg $0xFFFFFFFF;
	(pc) =	sbr.abs _section_cstart, $3  }
0xcf: {  	[dreg:$0x1] =	wrdreg $0xFFFFFFFF  }
0xd0: {  	_ =	task.clear_ibuf [dreg:s22], $0x2FFFF;
	_ =	strace $0x9FFFFFFF  }
0xd1: {  	(tm) =	ssettm $0x7FFFFFFF  }
tec
execute0_lowered:
.L_overlay_start_1:
0x0: {  	(tag) =	ssettag $0x1  }
0x1: {  	s1 =	srdreg.scid;
	s0 =	stileid.u32  }
0x2: {  	s6 =	sand.u32 $0x1, s1;
	s30 =	sshll.u32 s0, $0x1  }
0x3: {  	s5 =	rddreg [dreg:$0x0];
	s8 =	sor.u32 s6, s30  }
0x4: {  	s9 =	rddreg [dreg:$0x1];
	s2 =	simm.s32 $0x0;
	s3 =	smul.u32 $0x271, s8  }
0x5: {  	[smem:$0x7FF] =	sst s2  }
0x6: {  	s1 =	rddreg [dreg:$0x2];
	_ =	strace $0x8000004A;
	s3 =	sadd.s32 s3, s5  }
0x7: {  	s10 =	ssub.s32 $0x2, s6;
	s4 =	sadd.s32 $0x5A200, s3;
	s3 =	simm.s32 $0x2  }
0x8: {  	[tilespmem:s2], [sflag:$0x2] =	stream.linear.gather [hbm4b:s4+s2], $0x1388, $0x38;
	[tilespmem:$0x14C08] =	vst v63  }
0x9: {  	s7 =	simm.s32 $0x1;
	s11 =	sshrl.u32 s10, $0x1;
	_ =	swait.ge [sflag:s3], $0x1388  }
0xa: {  	s6 =	simm.s32 $0x1388;
	s10 =	ssub.s32 s10, s11;
	[sflag:s3] =	ssyncset.done $0x0  }
0xb: {  	s5 =	sadd.s32 $0x7000, s5;
	s31 =	smax.u32 s10, $0x1;
	[sflag:s3] =	ssyncadd.s32 $0xFFFFEC78  }
0xc: {  	[tilespmem:s6], [sflag:$0x1] =	stream.indirect.gather [hbm4b:s5+s6], $0x10, s2, s6, $0xb8;
	[tilespmem:$0x14C08] =	vst v63  }
0xd: {  	s8 =	smul.u32 $0x2710, s8;
	p0 =	sne.s32 s31, $0x1;
	_ =	swait.ge [sflag:s7], $0x13880  }
.Ltmp0:
0xe: {  	[sflag:s7] =	ssyncset.done $0x0;
	(pc) =	sbr.rel @!p0 .LBB2_2-.Ltmp0, $4  }
0xf: {  	s8 =	sadd.s32 s9, s8;
	[sflag:s7] =	ssyncadd.s32 $0xFFFEC780  }
0x10: {  	[hbm4b:s8+s2] =	stream.linear.scatter [tilespmem:s6], [sflag:$0x2], $0x13880, $0x38;
	[tilespmem:$0x14C08] =	vst v63  }
0x11: {  	_ =	swait.ge [sflag:s3], $0x13880  }
0x12: {  	s9 =	sadd.s32 $0xFFFFFFFF, s31;
	[sflag:s3] =	ssyncset.done $0x0  }
.LBB2_1:
0x13: {  	p0 =	sne.s32 s9, $0x1;
	s9 =	sadd.s32 $0xFFFFFFFF, s9;
	[sflag:s3] =	ssyncadd.s32 $0xFFFEC780  }
0x14: {  	[tilespmem:s2], [sflag:$0x2] =	stream.linear.gather [hbm4b:s4+s2], $0x1388, $0x38;
	[tilespmem:$0x14C08] =	vst v63  }
0x15: {  	_ =	swait.ge [sflag:s3], $0x1388  }
0x16: {  	[sflag:s3] =	ssyncset.done $0x0  }
0x17: {  	[sflag:s3] =	ssyncadd.s32 $0xFFFFEC78  }
0x18: {  	[tilespmem:s6], [sflag:$0x1] =	stream.indirect.gather [hbm4b:s5+s6], $0x10, s2, s6, $0xb8;
	[tilespmem:$0x14C08] =	vst v63  }
0x19: {  	_ =	swait.ge [sflag:s7], $0x13880  }
.Ltmp1:
0x1a: {  	[sflag:s7] =	ssyncset.done $0x0;
	(pc) =	sbr.rel @p0 .LBB2_1-.Ltmp1, $4  }
0x1b: {  	[sflag:s7] =	ssyncadd.s32 $0xFFFEC780  }
0x1c: {  	[hbm4b:s8+s2] =	stream.linear.scatter [tilespmem:s6], [sflag:$0x2], $0x13880, $0x38;
	[tilespmem:$0x14C08] =	vst v63  }
0x1d: {  	_ =	swait.ge [sflag:s3], $0x13880  }
0x1e: {  	[sflag:s3] =	ssyncset.done $0x0  }
.LBB2_2:
0x1f: {  	[sflag:s3] =	ssyncadd.s32 $0xFFFEC780  }
0x20: {  	_ =	sfence.sel $0x180000  }
0x21: {  	[bflag:$0x0] =	sbarrier.arrive $0xFFFF  }
0x22: {  	p0 =	sne.s32 s0, $0x0;
	_ =	strace $0x9000004A  }
0x23: {  	s0 =	sadd.s32 @!p0 $0x100000, s1;
	[bflag:$0x2] =	sbarrier.arrive $0xFFFF  }
0x24: {  	[sflag:s0] =	ssyncadd.tile.s32 @!p0 $0x1;
	_ =	shalt  }
.Lfunc_end2:
_tile_overlayer_lowered:
.L_overlay_start_2:
0x25: {  	(tag) =	ssettag $0x2  }
0x26: {  	s0 =	rddreg [dreg:$0x0];
	s2 =	stileid.u32  }
0x27: {  	s1 =	rddreg [dreg:$0x1];
	p0 =	sne.s32 s2, $0x0  }
0x28: {  	s3 =	rddreg [dreg:$0x2];
	[bflag:$0x3] =	sbarrier.arrive $0xFFFF;
	s2 =	simm.s32 @!p0 $0x1C02  }
0x29: {  	[timem:s3], [sflag:s2] =	dma.local @!p0 [hbm:s0], s1  }
0x2a: {  	s0 =	simm.s32 @!p0 $0x2  }
0x2b: {  	_ =	swait.ge @!p0 [sflag:s0], s1  }
0x2c: {  	s1 =	ssub.s32 @!p0 $0x0, s1;
	[sflag:s0] =	ssyncset.done @!p0 $0x0  }
0x2d: {  	[sflag:s0] =	ssyncadd.s32 @!p0 s1  }
0x2e: {  	[bflag:$0x3] =	sbarrier.arrive $0xFFFF  }
0x2f: {  	_ =	shalt  }

</sc_bundles>
